<compile_context>
chip_gen: v7x
topology: tpu7x:2x2x1
jax: 0.10.2.dev20260603
libtpu: 0.0.44.dev20260713+nightly
codegen_flags: <defaults>
</compile_context>

<pallas_src>
import functools

import jax
import jax.numpy as jnp
from jax import lax
from jax.experimental import pallas as pl
from jax.experimental.pallas import tpu as pltpu
from jax.experimental.pallas import tpu_sc as plsc

N = 10000
E = 320000
D = 128
T = 128
G = 64

NC = 2
NS = 16
NW = NC * NS
EW = E // NW
K = 104
EWP = 10088
PAD = EWP - EW
NCHUNK = EWP // K
NRA = 10112
RPT = NRA // NS

_mesh = plsc.VectorSubcoreMesh(core_axis_name="c", subcore_axis_name="s")


@functools.partial(
    pl.kernel,
    out_type=jax.ShapeDtypeStruct((NC, NRA, D), jnp.float32),
    mesh=_mesh,
    scratch_types=[
        pltpu.VMEM((EWP,), jnp.int32),
        pltpu.VMEM((NCHUNK, K), jnp.int32),
        pltpu.VMEM((K, D), jnp.float32),
        pltpu.VMEM((K, D), jnp.float32),
        pltpu.VMEM_SHARED((NRA, D), jnp.float32),
        pltpu.SemaphoreType.DMA,
        pltpu.SemaphoreType.DMA,
        pltpu.SemaphoreType.DMA,
    ],
)
def _sc_aggregate(h_hbm, src_hbm, dst_hbm, zeros_hbm, out_hbm,
                  src_v, dst_v, rows_a, rows_b, agg_sh, sem_a, sem_b, sem_z):
    cid = lax.axis_index("c")
    sid = lax.axis_index("s")
    wid = sid * NC + cid

    pltpu.async_copy(src_hbm.at[wid], src_v, sem_a)
    pltpu.async_copy(dst_hbm.at[wid], dst_v, sem_b)
    pltpu.async_copy(zeros_hbm, agg_sh.at[pl.ds(sid * RPT, RPT)], sem_z)
    pltpu.make_async_copy(src_hbm.at[wid], src_v, sem_a).wait()
    pltpu.make_async_copy(dst_hbm.at[wid], dst_v, sem_b).wait()

    pltpu.async_copy(h_hbm.at[src_v.at[pl.ds(0, K)]], rows_a, sem_a)
    pltpu.async_copy(h_hbm.at[src_v.at[pl.ds(K, K)]], rows_b, sem_b)
    pltpu.make_async_copy(zeros_hbm, agg_sh.at[pl.ds(sid * RPT, RPT)], sem_z).wait()
    plsc.subcore_barrier()

    def body(t, carry):
        i = 2 * t
        pltpu.make_async_copy(h_hbm.at[pl.ds(0, K)], rows_a, sem_a).wait()
        pltpu.sync_copy(rows_a, agg_sh.at[dst_v.at[i]], add=True)
        pltpu.async_copy(h_hbm.at[src_v.at[pl.ds((i + 2) * K, K)]], rows_a, sem_a)
        pltpu.make_async_copy(h_hbm.at[pl.ds(0, K)], rows_b, sem_b).wait()
        pltpu.sync_copy(rows_b, agg_sh.at[dst_v.at[i + 1]], add=True)
        pltpu.async_copy(h_hbm.at[src_v.at[pl.ds((i + 3) * K, K)]], rows_b, sem_b)
        return carry

    lax.fori_loop(0, (NCHUNK - 3) // 2, body, 0)

    pltpu.make_async_copy(h_hbm.at[pl.ds(0, K)], rows_a, sem_a).wait()
    pltpu.sync_copy(rows_a, agg_sh.at[dst_v.at[NCHUNK - 3]], add=True)
    pltpu.async_copy(h_hbm.at[src_v.at[pl.ds((NCHUNK - 1) * K, K)]], rows_a, sem_a)
    pltpu.make_async_copy(h_hbm.at[pl.ds(0, K)], rows_b, sem_b).wait()
    pltpu.sync_copy(rows_b, agg_sh.at[dst_v.at[NCHUNK - 2]], add=True)
    pltpu.make_async_copy(h_hbm.at[pl.ds(0, K)], rows_a, sem_a).wait()
    pltpu.sync_copy(rows_a, agg_sh.at[dst_v.at[NCHUNK - 1]], add=True)

    plsc.subcore_barrier()
    pltpu.sync_copy(agg_sh.at[pl.ds(sid * RPT, RPT)],
                    out_hbm.at[cid, pl.ds(sid * RPT, RPT)])


def _dot(a, b):
    return jnp.dot(a, b, preferred_element_type=jnp.float32,
                   precision=lax.Precision.HIGHEST)


def _tc_layer_body(p_ref, w_ref, b_ref, o_ref):
    acc = p_ref[0] + p_ref[1]
    o_ref[...] = jnp.maximum(_dot(acc, w_ref[...]) + b_ref[...], 0.0)


_RB = 2000


def _tc_layer(p, w, b2d):
    return pl.pallas_call(
        _tc_layer_body,
        grid=(N // _RB,),
        in_specs=[
            pl.BlockSpec((NC, _RB, D), lambda i: (0, i, 0)),
            pl.BlockSpec((D, D), lambda i: (0, 0)),
            pl.BlockSpec((1, D), lambda i: (0, 0)),
        ],
        out_specs=pl.BlockSpec((_RB, D), lambda i: (i, 0)),
        out_shape=jax.ShapeDtypeStruct((N, D), jnp.float32),
    )(p, w, b2d)


def _tc_head_body(p_ref, w3_ref, b3_ref, batch_ref, wout_ref, bout_ref, o_ref):
    acc = p_ref[0] + p_ref[1]
    h3 = jnp.maximum(_dot(acc, w3_ref[...]) + b3_ref[...], 0.0)
    gids = lax.broadcasted_iota(jnp.int32, (G, N), 0)
    onehot = (batch_ref[...] == gids).astype(jnp.float32)
    counts = jnp.sum(onehot, axis=1, keepdims=True)
    sums = _dot(onehot, h3)
    hg = sums / jnp.maximum(counts, 1.0)
    o_ref[...] = _dot(hg, wout_ref[...]) + bout_ref[...]


def _tc_head(p, w3, b3_2d, batch2d, wout, bout2d):
    return pl.pallas_call(
        _tc_head_body,
        grid=(1,),
        in_specs=[
            pl.BlockSpec((NC, N, D), lambda i: (0, 0, 0)),
            pl.BlockSpec((D, D), lambda i: (0, 0)),
            pl.BlockSpec((1, D), lambda i: (0, 0)),
            pl.BlockSpec((1, N), lambda i: (0, 0)),
            pl.BlockSpec((D, T), lambda i: (0, 0)),
            pl.BlockSpec((1, T), lambda i: (0, 0)),
        ],
        out_specs=pl.BlockSpec((G, T), lambda i: (0, 0)),
        out_shape=jax.ShapeDtypeStruct((G, T), jnp.float32),
    )(p, w3, b3_2d, batch2d, wout, bout2d)


def kernel(x, edge_index, batch, W1, b1, W2, b2, W3, b3, Wout, bout):
    wi = jnp.arange(NW, dtype=jnp.int32)[:, None]
    ji = jnp.arange(PAD, dtype=jnp.int32)[None, :]
    pad_src = (wi * 997 + ji * 13) % N
    pad_dst = N + (wi * 37 + ji) % (NRA - N)
    src = jnp.concatenate(
        [edge_index[0].astype(jnp.int32).reshape(NW, EW), pad_src], axis=1)
    dst = jnp.concatenate(
        [edge_index[1].astype(jnp.int32).reshape(NW, EW), pad_dst], axis=1)
    dst = dst.reshape(NW, NCHUNK, K)
    zeros = jnp.zeros((RPT, D), jnp.float32)
    batch2d = batch.astype(jnp.int32).reshape(1, N)

    h = x
    for (w, b) in ((W1, b1), (W2, b2)):
        p = _sc_aggregate(h, src, dst, zeros)
        h = _tc_layer(p, w, b.reshape(1, D))
    p = _sc_aggregate(h, src, dst, zeros)
    return _tc_head(p, W3, b3.reshape(1, D), batch2d, Wout, bout.reshape(1, D))

# --- scband reference (transcript-rebuilt; emitter-appended) ---
"""Pipeline reference for scband-gnn-7456063226429 (READ-ONLY COPY).

The authoritative reference and input builder live on the scoring server;
editing this copy changes nothing except your own understanding.
"""

import jax, jax.numpy as jnp
import numpy as np

N = 10000      # nodes
E = 320000     # edges
D = 128        # emb_dim / feature dim
T = 128        # num_tasks
G = 64         # graphs in batch


def setup_inputs(seed: int = 0) -> dict:
    key = jax.random.key(seed)
    ks = jax.random.split(key, 12)
    x = jax.random.normal(ks[0], (N, D), dtype=jnp.float32)
    edge_index = jax.random.randint(ks[1], (2, E), 0, N, dtype=jnp.int64)
    batch = jnp.sort(jax.random.randint(ks[2], (N,), 0, G, dtype=jnp.int64))
    s = 0.05
    W1 = jax.random.normal(ks[3], (D, D), dtype=jnp.float32) * s
    b1 = jax.random.normal(ks[4], (D,), dtype=jnp.float32) * s
    W2 = jax.random.normal(ks[5], (D, D), dtype=jnp.float32) * s
    b2 = jax.random.normal(ks[6], (D,), dtype=jnp.float32) * s
    W3 = jax.random.normal(ks[7], (D, D), dtype=jnp.float32) * s
    b3 = jax.random.normal(ks[8], (D,), dtype=jnp.float32) * s
    Wout = jax.random.normal(ks[9], (D, T), dtype=jnp.float32) * s
    bout = jax.random.normal(ks[10], (T,), dtype=jnp.float32) * s
    return {"x": x, "edge_index": edge_index, "batch": batch,
            "W1": W1, "b1": b1, "W2": W2, "b2": b2, "W3": W3, "b3": b3,
            "Wout": Wout, "bout": bout}


def reference(x, edge_index, batch, W1, b1, W2, b2, W3, b3, Wout, bout):
    # GNN_node: 3 message-passing layers (sum-aggregate neighbors -> linear -> relu)
    src = edge_index[0]
    dst = edge_index[1]
    h = x
    for (W, b) in ((W1, b1), (W2, b2), (W3, b3)):
        msg = h[src]                                          # gather  [E, D]
        agg = jax.ops.segment_sum(msg, dst, num_segments=N)   # scatter-add [N, D]
        h = jax.nn.relu(agg @ W + b)
    # global_mean_pool over graph assignment `batch`
    sums = jax.ops.segment_sum(h, batch, num_segments=G)      # [G, D]
    counts = jax.ops.segment_sum(jnp.ones((N, 1), dtype=h.dtype), batch, num_segments=G)
    h_graph = sums / jnp.maximum(counts, 1.0)
    # graph_pred_linear
    return h_graph @ Wout + bout

if __name__ == "__main__":
    import jax
    _d = setup_inputs()
    print(jax.jit(kernel)(*tuple(_d.values())))

</pallas_src>

<mosaic_0001>
#map = affine_map<(d0, d1) -> (0, 0)>
#map1 = affine_map<(d0, d1) -> (0, 0, 0)>
module attributes {stable_mosaic.version = 14 : i64} {
  func.func @_sc_aggregate(%arg0: i32, %arg1: i32, %arg2: memref<10000x128xf32, #tpu.memory_space<hbm>>, %arg3: memref<32x10088xi32, #tpu.memory_space<hbm>>, %arg4: memref<32x97x104xi32, #tpu.memory_space<hbm>>, %arg5: memref<632x128xf32, #tpu.memory_space<hbm>>, %arg6: memref<2x10112x128xf32, #tpu.memory_space<hbm>>, %arg7: memref<10088xi32, #tpu.memory_space<vmem>>, %arg8: memref<97x104xi32, #tpu.memory_space<vmem>>, %arg9: memref<104x128xf32, #tpu.memory_space<vmem>>, %arg10: memref<104x128xf32, #tpu.memory_space<vmem>>, %arg11: memref<10112x128xf32, #tpu.memory_space<vmem_shared>>, %arg12: memref<!tpu.dma_semaphore, #tpu.memory_space<semaphore_mem>>, %arg13: memref<!tpu.dma_semaphore, #tpu.memory_space<semaphore_mem>>, %arg14: memref<!tpu.dma_semaphore, #tpu.memory_space<semaphore_mem>>) attributes {dimension_semantics = [#tpu.dimension_semantics<core_parallel>, #tpu.dimension_semantics<subcore_parallel>], iteration_bounds = array<i64: 2, 16>, scalar_prefetch = 0 : i64, scratch_operands = 8 : i64, tpu.core_type = #tpu.core_type<sc_vector_subcore>, window_params = [{transform_indices = #map}, {transform_indices = #map}, {transform_indices = #map1}, {transform_indices = #map}, {transform_indices = #map1}]} {
    %mul3A = arith.constant 2 : i32
    %mul3A_0 = arith.muli %arg1, %mul3A : i32
    %add3A = arith.addi %mul3A_0, %arg0 : i32
    %dma_start3A = arith.constant 0 : i32
    %dma_start3A_1 = tpu.memref_slice %arg3[%add3A, %dma_start3A] : memref<32x10088xi32, #tpu.memory_space<hbm>> -> memref<1x10088xi32, #tpu.memory_space<hbm>>
    %dma_start3A_2 = tpu.memref_squeeze %dma_start3A_1 : memref<1x10088xi32, #tpu.memory_space<hbm>> -> memref<10088xi32, #tpu.memory_space<hbm>>
    %dma_start3A_3 = arith.constant 0 : i32
    %dma_start3A_4 = tpu.memref_slice %arg3[%add3A, %dma_start3A_3] : memref<32x10088xi32, #tpu.memory_space<hbm>> -> memref<1x10088xi32, #tpu.memory_space<hbm>>
    %dma_start3A_5 = tpu.memref_squeeze %dma_start3A_4 : memref<1x10088xi32, #tpu.memory_space<hbm>> -> memref<10088xi32, #tpu.memory_space<hbm>>
    tpu.enqueue_dma source(%dma_start3A_5 : memref<10088xi32, #tpu.memory_space<hbm>>) target(%arg7 : memref<10088xi32, #tpu.memory_space<vmem>>) target_semaphore(%arg12 : memref<!tpu.dma_semaphore, #tpu.memory_space<semaphore_mem>>)
    %dma_start3A_6 = arith.constant 0 : i32
    %dma_start3A_7 = arith.constant 0 : i32
    %dma_start3A_8 = tpu.memref_slice %arg4[%add3A, %dma_start3A_6, %dma_start3A_7] : memref<32x97x104xi32, #tpu.memory_space<hbm>> -> memref<1x97x104xi32, #tpu.memory_space<hbm>>
    %dma_start3A_9 = tpu.memref_squeeze %dma_start3A_8 : memref<1x97x104xi32, #tpu.memory_space<hbm>> -> memref<97x104xi32, #tpu.memory_space<hbm>>
    %dma_start3A_10 = arith.constant 0 : i32
    %dma_start3A_11 = arith.constant 0 : i32
    %dma_start3A_12 = tpu.memref_slice %arg4[%add3A, %dma_start3A_10, %dma_start3A_11] : memref<32x97x104xi32, #tpu.memory_space<hbm>> -> memref<1x97x104xi32, #tpu.memory_space<hbm>>
    %dma_start3A_13 = tpu.memref_squeeze %dma_start3A_12 : memref<1x97x104xi32, #tpu.memory_space<hbm>> -> memref<97x104xi32, #tpu.memory_space<hbm>>
    tpu.enqueue_dma source(%dma_start3A_13 : memref<97x104xi32, #tpu.memory_space<hbm>>) target(%arg8 : memref<97x104xi32, #tpu.memory_space<vmem>>) target_semaphore(%arg13 : memref<!tpu.dma_semaphore, #tpu.memory_space<semaphore_mem>>)
    %mul3A_14 = arith.constant 632 : i32
    %mul3A_15 = arith.muli %arg1, %mul3A_14 : i32
    %dma_start3A_16 = arith.constant 0 : i32
    %dma_start3A_17 = tpu.memref_slice %arg11[%mul3A_15, %dma_start3A_16] : memref<10112x128xf32, #tpu.memory_space<vmem_shared>> -> memref<632x128xf32, #tpu.memory_space<vmem_shared>>
    tpu.enqueue_dma source(%arg5 : memref<632x128xf32, #tpu.memory_space<hbm>>) target(%dma_start3A_17 : memref<632x128xf32, #tpu.memory_space<vmem_shared>>) target_semaphore(%arg14 : memref<!tpu.dma_semaphore, #tpu.memory_space<semaphore_mem>>)
    %dma_wait3A = arith.constant 0 : i32
    %dma_wait3A_18 = tpu.memref_slice %arg3[%add3A, %dma_wait3A] : memref<32x10088xi32, #tpu.memory_space<hbm>> -> memref<1x10088xi32, #tpu.memory_space<hbm>>
    %dma_wait3A_19 = tpu.memref_squeeze %dma_wait3A_18 : memref<1x10088xi32, #tpu.memory_space<hbm>> -> memref<10088xi32, #tpu.memory_space<hbm>>
    %dma_wait3A_20 = arith.constant 0 : i32
    %dma_wait3A_21 = tpu.memref_slice %arg3[%add3A, %dma_wait3A_20] : memref<32x10088xi32, #tpu.memory_space<hbm>> -> memref<1x10088xi32, #tpu.memory_space<hbm>>
    %dma_wait3A_22 = tpu.memref_squeeze %dma_wait3A_21 : memref<1x10088xi32, #tpu.memory_space<hbm>> -> memref<10088xi32, #tpu.memory_space<hbm>>
    tpu.wait_dma2 semaphore(%arg12 : memref<!tpu.dma_semaphore, #tpu.memory_space<semaphore_mem>>) src(%dma_wait3A_22 : memref<10088xi32, #tpu.memory_space<hbm>>) dst(%arg7 : memref<10088xi32, #tpu.memory_space<vmem>>)
    %dma_wait3A_23 = arith.constant 0 : i32
    %dma_wait3A_24 = arith.constant 0 : i32
    %dma_wait3A_25 = tpu.memref_slice %arg4[%add3A, %dma_wait3A_23, %dma_wait3A_24] : memref<32x97x104xi32, #tpu.memory_space<hbm>> -> memref<1x97x104xi32, #tpu.memory_space<hbm>>
    %dma_wait3A_26 = tpu.memref_squeeze %dma_wait3A_25 : memref<1x97x104xi32, #tpu.memory_space<hbm>> -> memref<97x104xi32, #tpu.memory_space<hbm>>
    %dma_wait3A_27 = arith.constant 0 : i32
    %dma_wait3A_28 = arith.constant 0 : i32
    %dma_wait3A_29 = tpu.memref_slice %arg4[%add3A, %dma_wait3A_27, %dma_wait3A_28] : memref<32x97x104xi32, #tpu.memory_space<hbm>> -> memref<1x97x104xi32, #tpu.memory_space<hbm>>
    %dma_wait3A_30 = tpu.memref_squeeze %dma_wait3A_29 : memref<1x97x104xi32, #tpu.memory_space<hbm>> -> memref<97x104xi32, #tpu.memory_space<hbm>>
    tpu.wait_dma2 semaphore(%arg13 : memref<!tpu.dma_semaphore, #tpu.memory_space<semaphore_mem>>) src(%dma_wait3A_30 : memref<97x104xi32, #tpu.memory_space<hbm>>) dst(%arg8 : memref<97x104xi32, #tpu.memory_space<vmem>>)
    %dma_start3A_31 = arith.constant 0 : i32
    %dma_start3A_32 = tpu.memref_slice %arg7[%dma_start3A_31] : memref<10088xi32, #tpu.memory_space<vmem>> -> memref<104xi32, #tpu.memory_space<vmem>>
    %dma_start3A_33 = arith.constant 0 : i32
    %dma_start3A_34 = arith.constant 0 : i32
    %dma_start3A_35 = tpu.memref_slice %arg2[%dma_start3A_33, %dma_start3A_34] : memref<10000x128xf32, #tpu.memory_space<hbm>> -> memref<10000x128xf32, #tpu.memory_space<hbm>>
    tpu.enqueue_indirect_dma source(%dma_start3A_35 : memref<10000x128xf32, #tpu.memory_space<hbm>>) target(%arg9 : memref<104x128xf32, #tpu.memory_space<vmem>>) offsets(%dma_start3A_32 : memref<104xi32, #tpu.memory_space<vmem>>) semaphore(%arg12 : memref<!tpu.dma_semaphore, #tpu.memory_space<semaphore_mem>>)
    %dma_start3A_36 = arith.constant 104 : i32
    %dma_start3A_37 = tpu.memref_slice %arg7[%dma_start3A_36] : memref<10088xi32, #tpu.memory_space<vmem>> -> memref<104xi32, #tpu.memory_space<vmem>>
    %dma_start3A_38 = arith.constant 0 : i32
    %dma_start3A_39 = arith.constant 0 : i32
    %dma_start3A_40 = tpu.memref_slice %arg2[%dma_start3A_38, %dma_start3A_39] : memref<10000x128xf32, #tpu.memory_space<hbm>> -> memref<10000x128xf32, #tpu.memory_space<hbm>>
    tpu.enqueue_indirect_dma source(%dma_start3A_40 : memref<10000x128xf32, #tpu.memory_space<hbm>>) target(%arg10 : memref<104x128xf32, #tpu.memory_space<vmem>>) offsets(%dma_start3A_37 : memref<104xi32, #tpu.memory_space<vmem>>) semaphore(%arg13 : memref<!tpu.dma_semaphore, #tpu.memory_space<semaphore_mem>>)
    %mul3A_41 = arith.constant 632 : i32
    %mul3A_42 = arith.muli %arg1, %mul3A_41 : i32
    %dma_wait3A_43 = arith.constant 0 : i32
    %dma_wait3A_44 = tpu.memref_slice %arg11[%mul3A_42, %dma_wait3A_43] : memref<10112x128xf32, #tpu.memory_space<vmem_shared>> -> memref<632x128xf32, #tpu.memory_space<vmem_shared>>
    tpu.wait_dma2 semaphore(%arg14 : memref<!tpu.dma_semaphore, #tpu.memory_space<semaphore_mem>>) src(%arg5 : memref<632x128xf32, #tpu.memory_space<hbm>>) dst(%dma_wait3A_44 : memref<632x128xf32, #tpu.memory_space<vmem_shared>>)
    %barrier3A = arith.constant 0 : index
    tpu.barrier barrier_id(%barrier3A)
    %scan3A = arith.constant 0 : i32
    %scan3A_45 = arith.constant 0 : i32
    %scan3A_46 = arith.constant 47 : i32
    %scan3A_47 = arith.addi %scan3A_45, %scan3A_46 : i32
    %scan3A_48 = arith.constant 1 : i32
    scf.for %scan3A_80 = %scan3A_45 to %scan3A_47 step %scan3A_48  : i32 {
      %mul3A_81 = arith.constant 2 : i32
      %mul3A_82 = arith.muli %mul3A_81, %scan3A_80 : i32
      %dma_wait3A_83 = arith.constant 0 : i32
      %dma_wait3A_84 = arith.constant 0 : i32
      %dma_wait3A_85 = tpu.memref_slice %arg2[%dma_wait3A_83, %dma_wait3A_84] : memref<10000x128xf32, #tpu.memory_space<hbm>> -> memref<104x128xf32, #tpu.memory_space<hbm>>
      %dma_wait3A_86 = arith.constant 0 : i32
      %dma_wait3A_87 = arith.constant 0 : i32
      %dma_wait3A_88 = tpu.memref_slice %arg2[%dma_wait3A_86, %dma_wait3A_87] : memref<10000x128xf32, #tpu.memory_space<hbm>> -> memref<104x128xf32, #tpu.memory_space<hbm>>
      tpu.wait_dma2 semaphore(%arg12 : memref<!tpu.dma_semaphore, #tpu.memory_space<semaphore_mem>>) src(%dma_wait3A_88 : memref<104x128xf32, #tpu.memory_space<hbm>>) dst(%arg9 : memref<104x128xf32, #tpu.memory_space<vmem>>)
      "tpu.region"() ({
        %run_scoped3A_113 = tpu.sem_alloc : memref<!tpu.dma_semaphore, #tpu.memory_space<semaphore_mem>>
        %dma_start3A_114 = arith.constant 0 : i32
        %dma_start3A_115 = tpu.memref_slice %arg8[%mul3A_82, %dma_start3A_114] : memref<97x104xi32, #tpu.memory_space<vmem>> -> memref<1x104xi32, #tpu.memory_space<vmem>>
        %dma_start3A_116 = tpu.memref_squeeze %dma_start3A_115 : memref<1x104xi32, #tpu.memory_space<vmem>> -> memref<104xi32, #tpu.memory_space<vmem>>
        %dma_start3A_117 = arith.constant 0 : i32
        %dma_start3A_118 = arith.constant 0 : i32
        %dma_start3A_119 = tpu.memref_slice %arg11[%dma_start3A_117, %dma_start3A_118] : memref<10112x128xf32, #tpu.memory_space<vmem_shared>> -> memref<10112x128xf32, #tpu.memory_space<vmem_shared>>
        tpu.enqueue_indirect_dma source(%arg9 : memref<104x128xf32, #tpu.memory_space<vmem>>) target(%dma_start3A_119 : memref<10112x128xf32, #tpu.memory_space<vmem_shared>>) offsets(%dma_start3A_116 : memref<104xi32, #tpu.memory_space<vmem>>) semaphore(%run_scoped3A_113 : memref<!tpu.dma_semaphore, #tpu.memory_space<semaphore_mem>>) {add = true}
        %dma_wait3A_120 = arith.constant 0 : i32
        %dma_wait3A_121 = tpu.memref_slice %arg8[%mul3A_82, %dma_wait3A_120] : memref<97x104xi32, #tpu.memory_space<vmem>> -> memref<1x104xi32, #tpu.memory_space<vmem>>
        %dma_wait3A_122 = tpu.memref_squeeze %dma_wait3A_121 : memref<1x104xi32, #tpu.memory_space<vmem>> -> memref<104xi32, #tpu.memory_space<vmem>>
        %dma_wait3A_123 = arith.constant 0 : i32
        %dma_wait3A_124 = arith.constant 0 : i32
        %dma_wait3A_125 = tpu.memref_slice %arg11[%dma_wait3A_123, %dma_wait3A_124] : memref<10112x128xf32, #tpu.memory_space<vmem_shared>> -> memref<10112x128xf32, #tpu.memory_space<vmem_shared>>
        tpu.wait_indirect_dma semaphore(%run_scoped3A_113 : memref<!tpu.dma_semaphore, #tpu.memory_space<semaphore_mem>>) src(%arg9 : memref<104x128xf32, #tpu.memory_space<vmem>>) dst(%dma_wait3A_125 : memref<10112x128xf32, #tpu.memory_space<vmem_shared>>)
        tpu.yield
      }) : () -> ()
      %add3A_89 = arith.constant 2 : i32
      %add3A_90 = arith.addi %mul3A_82, %add3A_89 : i32
      %mul3A_91 = arith.constant 104 : i32
      %mul3A_92 = arith.muli %add3A_90, %mul3A_91 : i32
      %dma_start3A_93 = tpu.memref_slice %arg7[%mul3A_92] : memref<10088xi32, #tpu.memory_space<vmem>> -> memref<104xi32, #tpu.memory_space<vmem>>
      %dma_start3A_94 = arith.constant 0 : i32
      %dma_start3A_95 = arith.constant 0 : i32
      %dma_start3A_96 = tpu.memref_slice %arg2[%dma_start3A_94, %dma_start3A_95] : memref<10000x128xf32, #tpu.memory_space<hbm>> -> memref<10000x128xf32, #tpu.memory_space<hbm>>
      tpu.enqueue_indirect_dma source(%dma_start3A_96 : memref<10000x128xf32, #tpu.memory_space<hbm>>) target(%arg9 : memref<104x128xf32, #tpu.memory_space<vmem>>) offsets(%dma_start3A_93 : memref<104xi32, #tpu.memory_space<vmem>>) semaphore(%arg12 : memref<!tpu.dma_semaphore, #tpu.memory_space<semaphore_mem>>)
      %dma_wait3A_97 = arith.constant 0 : i32
      %dma_wait3A_98 = arith.constant 0 : i32
      %dma_wait3A_99 = tpu.memref_slice %arg2[%dma_wait3A_97, %dma_wait3A_98] : memref<10000x128xf32, #tpu.memory_space<hbm>> -> memref<104x128xf32, #tpu.memory_space<hbm>>
      %dma_wait3A_100 = arith.constant 0 : i32
      %dma_wait3A_101 = arith.constant 0 : i32
      %dma_wait3A_102 = tpu.memref_slice %arg2[%dma_wait3A_100, %dma_wait3A_101] : memref<10000x128xf32, #tpu.memory_space<hbm>> -> memref<104x128xf32, #tpu.memory_space<hbm>>
      tpu.wait_dma2 semaphore(%arg13 : memref<!tpu.dma_semaphore, #tpu.memory_space<semaphore_mem>>) src(%dma_wait3A_102 : memref<104x128xf32, #tpu.memory_space<hbm>>) dst(%arg10 : memref<104x128xf32, #tpu.memory_space<vmem>>)
      %add3A_103 = arith.constant 1 : i32
      %add3A_104 = arith.addi %mul3A_82, %add3A_103 : i32
      "tpu.region"() ({
        %run_scoped3A_113 = tpu.sem_alloc : memref<!tpu.dma_semaphore, #tpu.memory_space<semaphore_mem>>
        %dma_start3A_114 = arith.constant 0 : i32
        %dma_start3A_115 = tpu.memref_slice %arg8[%add3A_104, %dma_start3A_114] : memref<97x104xi32, #tpu.memory_space<vmem>> -> memref<1x104xi32, #tpu.memory_space<vmem>>
        %dma_start3A_116 = tpu.memref_squeeze %dma_start3A_115 : memref<1x104xi32, #tpu.memory_space<vmem>> -> memref<104xi32, #tpu.memory_space<vmem>>
        %dma_start3A_117 = arith.constant 0 : i32
        %dma_start3A_118 = arith.constant 0 : i32
        %dma_start3A_119 = tpu.memref_slice %arg11[%dma_start3A_117, %dma_start3A_118] : memref<10112x128xf32, #tpu.memory_space<vmem_shared>> -> memref<10112x128xf32, #tpu.memory_space<vmem_shared>>
        tpu.enqueue_indirect_dma source(%arg10 : memref<104x128xf32, #tpu.memory_space<vmem>>) target(%dma_start3A_119 : memref<10112x128xf32, #tpu.memory_space<vmem_shared>>) offsets(%dma_start3A_116 : memref<104xi32, #tpu.memory_space<vmem>>) semaphore(%run_scoped3A_113 : memref<!tpu.dma_semaphore, #tpu.memory_space<semaphore_mem>>) {add = true}
        %dma_wait3A_120 = arith.constant 0 : i32
        %dma_wait3A_121 = tpu.memref_slice %arg8[%add3A_104, %dma_wait3A_120] : memref<97x104xi32, #tpu.memory_space<vmem>> -> memref<1x104xi32, #tpu.memory_space<vmem>>
        %dma_wait3A_122 = tpu.memref_squeeze %dma_wait3A_121 : memref<1x104xi32, #tpu.memory_space<vmem>> -> memref<104xi32, #tpu.memory_space<vmem>>
        %dma_wait3A_123 = arith.constant 0 : i32
        %dma_wait3A_124 = arith.constant 0 : i32
        %dma_wait3A_125 = tpu.memref_slice %arg11[%dma_wait3A_123, %dma_wait3A_124] : memref<10112x128xf32, #tpu.memory_space<vmem_shared>> -> memref<10112x128xf32, #tpu.memory_space<vmem_shared>>
        tpu.wait_indirect_dma semaphore(%run_scoped3A_113 : memref<!tpu.dma_semaphore, #tpu.memory_space<semaphore_mem>>) src(%arg10 : memref<104x128xf32, #tpu.memory_space<vmem>>) dst(%dma_wait3A_125 : memref<10112x128xf32, #tpu.memory_space<vmem_shared>>)
        tpu.yield
      }) : () -> ()
      %add3A_105 = arith.constant 3 : i32
      %add3A_106 = arith.addi %mul3A_82, %add3A_105 : i32
      %mul3A_107 = arith.constant 104 : i32
      %mul3A_108 = arith.muli %add3A_106, %mul3A_107 : i32
      %dma_start3A_109 = tpu.memref_slice %arg7[%mul3A_108] : memref<10088xi32, #tpu.memory_space<vmem>> -> memref<104xi32, #tpu.memory_space<vmem>>
      %dma_start3A_110 = arith.constant 0 : i32
      %dma_start3A_111 = arith.constant 0 : i32
      %dma_start3A_112 = tpu.memref_slice %arg2[%dma_start3A_110, %dma_start3A_111] : memref<10000x128xf32, #tpu.memory_space<hbm>> -> memref<10000x128xf32, #tpu.memory_space<hbm>>
      tpu.enqueue_indirect_dma source(%dma_start3A_112 : memref<10000x128xf32, #tpu.memory_space<hbm>>) target(%arg10 : memref<104x128xf32, #tpu.memory_space<vmem>>) offsets(%dma_start3A_109 : memref<104xi32, #tpu.memory_space<vmem>>) semaphore(%arg13 : memref<!tpu.dma_semaphore, #tpu.memory_space<semaphore_mem>>)
    }
    %scan3A_49 = arith.constant 47 : i32
    %dma_wait3A_50 = arith.constant 0 : i32
    %dma_wait3A_51 = arith.constant 0 : i32
    %dma_wait3A_52 = tpu.memref_slice %arg2[%dma_wait3A_50, %dma_wait3A_51] : memref<10000x128xf32, #tpu.memory_space<hbm>> -> memref<104x128xf32, #tpu.memory_space<hbm>>
    %dma_wait3A_53 = arith.constant 0 : i32
    %dma_wait3A_54 = arith.constant 0 : i32
    %dma_wait3A_55 = tpu.memref_slice %arg2[%dma_wait3A_53, %dma_wait3A_54] : memref<10000x128xf32, #tpu.memory_space<hbm>> -> memref<104x128xf32, #tpu.memory_space<hbm>>
    tpu.wait_dma2 semaphore(%arg12 : memref<!tpu.dma_semaphore, #tpu.memory_space<semaphore_mem>>) src(%dma_wait3A_55 : memref<104x128xf32, #tpu.memory_space<hbm>>) dst(%arg9 : memref<104x128xf32, #tpu.memory_space<vmem>>)
    %run_scoped3A = arith.constant 94 : i32
    "tpu.region"() ({
      %run_scoped3A_80 = tpu.sem_alloc : memref<!tpu.dma_semaphore, #tpu.memory_space<semaphore_mem>>
      %dma_start3A_81 = arith.constant 0 : i32
      %dma_start3A_82 = tpu.memref_slice %arg8[%run_scoped3A, %dma_start3A_81] : memref<97x104xi32, #tpu.memory_space<vmem>> -> memref<1x104xi32, #tpu.memory_space<vmem>>
      %dma_start3A_83 = tpu.memref_squeeze %dma_start3A_82 : memref<1x104xi32, #tpu.memory_space<vmem>> -> memref<104xi32, #tpu.memory_space<vmem>>
      %dma_start3A_84 = arith.constant 0 : i32
      %dma_start3A_85 = arith.constant 0 : i32
      %dma_start3A_86 = tpu.memref_slice %arg11[%dma_start3A_84, %dma_start3A_85] : memref<10112x128xf32, #tpu.memory_space<vmem_shared>> -> memref<10112x128xf32, #tpu.memory_space<vmem_shared>>
      tpu.enqueue_indirect_dma source(%arg9 : memref<104x128xf32, #tpu.memory_space<vmem>>) target(%dma_start3A_86 : memref<10112x128xf32, #tpu.memory_space<vmem_shared>>) offsets(%dma_start3A_83 : memref<104xi32, #tpu.memory_space<vmem>>) semaphore(%run_scoped3A_80 : memref<!tpu.dma_semaphore, #tpu.memory_space<semaphore_mem>>) {add = true}
      %dma_wait3A_87 = arith.constant 0 : i32
      %dma_wait3A_88 = tpu.memref_slice %arg8[%run_scoped3A, %dma_wait3A_87] : memref<97x104xi32, #tpu.memory_space<vmem>> -> memref<1x104xi32, #tpu.memory_space<vmem>>
      %dma_wait3A_89 = tpu.memref_squeeze %dma_wait3A_88 : memref<1x104xi32, #tpu.memory_space<vmem>> -> memref<104xi32, #tpu.memory_space<vmem>>
      %dma_wait3A_90 = arith.constant 0 : i32
      %dma_wait3A_91 = arith.constant 0 : i32
      %dma_wait3A_92 = tpu.memref_slice %arg11[%dma_wait3A_90, %dma_wait3A_91] : memref<10112x128xf32, #tpu.memory_space<vmem_shared>> -> memref<10112x128xf32, #tpu.memory_space<vmem_shared>>
      tpu.wait_indirect_dma semaphore(%run_scoped3A_80 : memref<!tpu.dma_semaphore, #tpu.memory_space<semaphore_mem>>) src(%arg9 : memref<104x128xf32, #tpu.memory_space<vmem>>) dst(%dma_wait3A_92 : memref<10112x128xf32, #tpu.memory_space<vmem_shared>>)
      tpu.yield
    }) : () -> ()
    %dma_start3A_56 = arith.constant 9984 : i32
    %dma_start3A_57 = tpu.memref_slice %arg7[%dma_start3A_56] : memref<10088xi32, #tpu.memory_space<vmem>> -> memref<104xi32, #tpu.memory_space<vmem>>
    %dma_start3A_58 = arith.constant 0 : i32
    %dma_start3A_59 = arith.constant 0 : i32
    %dma_start3A_60 = tpu.memref_slice %arg2[%dma_start3A_58, %dma_start3A_59] : memref<10000x128xf32, #tpu.memory_space<hbm>> -> memref<10000x128xf32, #tpu.memory_space<hbm>>
    tpu.enqueue_indirect_dma source(%dma_start3A_60 : memref<10000x128xf32, #tpu.memory_space<hbm>>) target(%arg9 : memref<104x128xf32, #tpu.memory_space<vmem>>) offsets(%dma_start3A_57 : memref<104xi32, #tpu.memory_space<vmem>>) semaphore(%arg12 : memref<!tpu.dma_semaphore, #tpu.memory_space<semaphore_mem>>)
    %dma_wait3A_61 = arith.constant 0 : i32
    %dma_wait3A_62 = arith.constant 0 : i32
    %dma_wait3A_63 = tpu.memref_slice %arg2[%dma_wait3A_61, %dma_wait3A_62] : memref<10000x128xf32, #tpu.memory_space<hbm>> -> memref<104x128xf32, #tpu.memory_space<hbm>>
    %dma_wait3A_64 = arith.constant 0 : i32
    %dma_wait3A_65 = arith.constant 0 : i32
    %dma_wait3A_66 = tpu.memref_slice %arg2[%dma_wait3A_64, %dma_wait3A_65] : memref<10000x128xf32, #tpu.memory_space<hbm>> -> memref<104x128xf32, #tpu.memory_space<hbm>>
    tpu.wait_dma2 semaphore(%arg13 : memref<!tpu.dma_semaphore, #tpu.memory_space<semaphore_mem>>) src(%dma_wait3A_66 : memref<104x128xf32, #tpu.memory_space<hbm>>) dst(%arg10 : memref<104x128xf32, #tpu.memory_space<vmem>>)
    %run_scoped3A_67 = arith.constant 95 : i32
    "tpu.region"() ({
      %run_scoped3A_80 = tpu.sem_alloc : memref<!tpu.dma_semaphore, #tpu.memory_space<semaphore_mem>>
      %dma_start3A_81 = arith.constant 0 : i32
      %dma_start3A_82 = tpu.memref_slice %arg8[%run_scoped3A_67, %dma_start3A_81] : memref<97x104xi32, #tpu.memory_space<vmem>> -> memref<1x104xi32, #tpu.memory_space<vmem>>
      %dma_start3A_83 = tpu.memref_squeeze %dma_start3A_82 : memref<1x104xi32, #tpu.memory_space<vmem>> -> memref<104xi32, #tpu.memory_space<vmem>>
      %dma_start3A_84 = arith.constant 0 : i32
      %dma_start3A_85 = arith.constant 0 : i32
      %dma_start3A_86 = tpu.memref_slice %arg11[%dma_start3A_84, %dma_start3A_85] : memref<10112x128xf32, #tpu.memory_space<vmem_shared>> -> memref<10112x128xf32, #tpu.memory_space<vmem_shared>>
      tpu.enqueue_indirect_dma source(%arg10 : memref<104x128xf32, #tpu.memory_space<vmem>>) target(%dma_start3A_86 : memref<10112x128xf32, #tpu.memory_space<vmem_shared>>) offsets(%dma_start3A_83 : memref<104xi32, #tpu.memory_space<vmem>>) semaphore(%run_scoped3A_80 : memref<!tpu.dma_semaphore, #tpu.memory_space<semaphore_mem>>) {add = true}
      %dma_wait3A_87 = arith.constant 0 : i32
      %dma_wait3A_88 = tpu.memref_slice %arg8[%run_scoped3A_67, %dma_wait3A_87] : memref<97x104xi32, #tpu.memory_space<vmem>> -> memref<1x104xi32, #tpu.memory_space<vmem>>
      %dma_wait3A_89 = tpu.memref_squeeze %dma_wait3A_88 : memref<1x104xi32, #tpu.memory_space<vmem>> -> memref<104xi32, #tpu.memory_space<vmem>>
      %dma_wait3A_90 = arith.constant 0 : i32
      %dma_wait3A_91 = arith.constant 0 : i32
      %dma_wait3A_92 = tpu.memref_slice %arg11[%dma_wait3A_90, %dma_wait3A_91] : memref<10112x128xf32, #tpu.memory_space<vmem_shared>> -> memref<10112x128xf32, #tpu.memory_space<vmem_shared>>
      tpu.wait_indirect_dma semaphore(%run_scoped3A_80 : memref<!tpu.dma_semaphore, #tpu.memory_space<semaphore_mem>>) src(%arg10 : memref<104x128xf32, #tpu.memory_space<vmem>>) dst(%dma_wait3A_92 : memref<10112x128xf32, #tpu.memory_space<vmem_shared>>)
      tpu.yield
    }) : () -> ()
    %dma_wait3A_68 = arith.constant 0 : i32
    %dma_wait3A_69 = arith.constant 0 : i32
    %dma_wait3A_70 = tpu.memref_slice %arg2[%dma_wait3A_68, %dma_wait3A_69] : memref<10000x128xf32, #tpu.memory_space<hbm>> -> memref<104x128xf32, #tpu.memory_space<hbm>>
    %dma_wait3A_71 = arith.constant 0 : i32
    %dma_wait3A_72 = arith.constant 0 : i32
    %dma_wait3A_73 = tpu.memref_slice %arg2[%dma_wait3A_71, %dma_wait3A_72] : memref<10000x128xf32, #tpu.memory_space<hbm>> -> memref<104x128xf32, #tpu.memory_space<hbm>>
    tpu.wait_dma2 semaphore(%arg12 : memref<!tpu.dma_semaphore, #tpu.memory_space<semaphore_mem>>) src(%dma_wait3A_73 : memref<104x128xf32, #tpu.memory_space<hbm>>) dst(%arg9 : memref<104x128xf32, #tpu.memory_space<vmem>>)
    %run_scoped3A_74 = arith.constant 96 : i32
    "tpu.region"() ({
      %run_scoped3A_80 = tpu.sem_alloc : memref<!tpu.dma_semaphore, #tpu.memory_space<semaphore_mem>>
      %dma_start3A_81 = arith.constant 0 : i32
      %dma_start3A_82 = tpu.memref_slice %arg8[%run_scoped3A_74, %dma_start3A_81] : memref<97x104xi32, #tpu.memory_space<vmem>> -> memref<1x104xi32, #tpu.memory_space<vmem>>
      %dma_start3A_83 = tpu.memref_squeeze %dma_start3A_82 : memref<1x104xi32, #tpu.memory_space<vmem>> -> memref<104xi32, #tpu.memory_space<vmem>>
      %dma_start3A_84 = arith.constant 0 : i32
      %dma_start3A_85 = arith.constant 0 : i32
      %dma_start3A_86 = tpu.memref_slice %arg11[%dma_start3A_84, %dma_start3A_85] : memref<10112x128xf32, #tpu.memory_space<vmem_shared>> -> memref<10112x128xf32, #tpu.memory_space<vmem_shared>>
      tpu.enqueue_indirect_dma source(%arg9 : memref<104x128xf32, #tpu.memory_space<vmem>>) target(%dma_start3A_86 : memref<10112x128xf32, #tpu.memory_space<vmem_shared>>) offsets(%dma_start3A_83 : memref<104xi32, #tpu.memory_space<vmem>>) semaphore(%run_scoped3A_80 : memref<!tpu.dma_semaphore, #tpu.memory_space<semaphore_mem>>) {add = true}
      %dma_wait3A_87 = arith.constant 0 : i32
      %dma_wait3A_88 = tpu.memref_slice %arg8[%run_scoped3A_74, %dma_wait3A_87] : memref<97x104xi32, #tpu.memory_space<vmem>> -> memref<1x104xi32, #tpu.memory_space<vmem>>
      %dma_wait3A_89 = tpu.memref_squeeze %dma_wait3A_88 : memref<1x104xi32, #tpu.memory_space<vmem>> -> memref<104xi32, #tpu.memory_space<vmem>>
      %dma_wait3A_90 = arith.constant 0 : i32
      %dma_wait3A_91 = arith.constant 0 : i32
      %dma_wait3A_92 = tpu.memref_slice %arg11[%dma_wait3A_90, %dma_wait3A_91] : memref<10112x128xf32, #tpu.memory_space<vmem_shared>> -> memref<10112x128xf32, #tpu.memory_space<vmem_shared>>
      tpu.wait_indirect_dma semaphore(%run_scoped3A_80 : memref<!tpu.dma_semaphore, #tpu.memory_space<semaphore_mem>>) src(%arg9 : memref<104x128xf32, #tpu.memory_space<vmem>>) dst(%dma_wait3A_92 : memref<10112x128xf32, #tpu.memory_space<vmem_shared>>)
      tpu.yield
    }) : () -> ()
    %barrier3A_75 = arith.constant 0 : index
    tpu.barrier barrier_id(%barrier3A_75)
    %mul3A_76 = arith.constant 632 : i32
    %mul3A_77 = arith.muli %arg1, %mul3A_76 : i32
    %mul3A_78 = arith.constant 632 : i32
    %mul3A_79 = arith.muli %arg1, %mul3A_78 : i32
    "tpu.region"() ({
      %run_scoped3A_80 = tpu.sem_alloc : memref<!tpu.dma_semaphore, #tpu.memory_space<semaphore_mem>>
      %dma_start3A_81 = arith.constant 0 : i32
      %dma_start3A_82 = tpu.memref_slice %arg6[%arg0, %mul3A_79, %dma_start3A_81] : memref<2x10112x128xf32, #tpu.memory_space<hbm>> -> memref<1x632x128xf32, #tpu.memory_space<hbm>>
      %dma_start3A_83 = tpu.memref_squeeze %dma_start3A_82 : memref<1x632x128xf32, #tpu.memory_space<hbm>> -> memref<632x128xf32, #tpu.memory_space<hbm>>
      %dma_start3A_84 = arith.constant 0 : i32
      %dma_start3A_85 = tpu.memref_slice %arg11[%mul3A_77, %dma_start3A_84] : memref<10112x128xf32, #tpu.memory_space<vmem_shared>> -> memref<632x128xf32, #tpu.memory_space<vmem_shared>>
      tpu.enqueue_dma source(%dma_start3A_85 : memref<632x128xf32, #tpu.memory_space<vmem_shared>>) target(%dma_start3A_83 : memref<632x128xf32, #tpu.memory_space<hbm>>) target_semaphore(%run_scoped3A_80 : memref<!tpu.dma_semaphore, #tpu.memory_space<semaphore_mem>>)
      %dma_wait3A_86 = arith.constant 0 : i32
      %dma_wait3A_87 = tpu.memref_slice %arg6[%arg0, %mul3A_79, %dma_wait3A_86] : memref<2x10112x128xf32, #tpu.memory_space<hbm>> -> memref<1x632x128xf32, #tpu.memory_space<hbm>>
      %dma_wait3A_88 = tpu.memref_squeeze %dma_wait3A_87 : memref<1x632x128xf32, #tpu.memory_space<hbm>> -> memref<632x128xf32, #tpu.memory_space<hbm>>
      %dma_wait3A_89 = arith.constant 0 : i32
      %dma_wait3A_90 = tpu.memref_slice %arg11[%mul3A_77, %dma_wait3A_89] : memref<10112x128xf32, #tpu.memory_space<vmem_shared>> -> memref<632x128xf32, #tpu.memory_space<vmem_shared>>
      tpu.wait_dma2 semaphore(%run_scoped3A_80 : memref<!tpu.dma_semaphore, #tpu.memory_space<semaphore_mem>>) src(%dma_wait3A_90 : memref<632x128xf32, #tpu.memory_space<vmem_shared>>) dst(%dma_wait3A_88 : memref<632x128xf32, #tpu.memory_space<hbm>>)
      tpu.yield
    }) : () -> ()
    return
  }
}

#map = affine_map<(d0, d1) -> (0, 0)>
#map1 = affine_map<(d0, d1) -> (0, 0, 0)>
module attributes {stable_mosaic.version = 14 : i64} {
  func.func @_sc_aggregate(%arg0: i32, %arg1: i32, %arg2: memref<10000x128xf32, #tpu.memory_space<hbm>>, %arg3: memref<32x10088xi32, #tpu.memory_space<hbm>>, %arg4: memref<32x97x104xi32, #tpu.memory_space<hbm>>, %arg5: memref<632x128xf32, #tpu.memory_space<hbm>>, %arg6: memref<2x10112x128xf32, #tpu.memory_space<hbm>>, %arg7: memref<10088xi32, #tpu.memory_space<vmem>>, %arg8: memref<97x104xi32, #tpu.memory_space<vmem>>, %arg9: memref<104x128xf32, #tpu.memory_space<vmem>>, %arg10: memref<104x128xf32, #tpu.memory_space<vmem>>, %arg11: memref<10112x128xf32, #tpu.memory_space<vmem_shared>>, %arg12: memref<!tpu.dma_semaphore, #tpu.memory_space<semaphore_mem>>, %arg13: memref<!tpu.dma_semaphore, #tpu.memory_space<semaphore_mem>>, %arg14: memref<!tpu.dma_semaphore, #tpu.memory_space<semaphore_mem>>) attributes {dimension_semantics = [#tpu.dimension_semantics<core_parallel>, #tpu.dimension_semantics<subcore_parallel>], iteration_bounds = array<i64: 2, 16>, scalar_prefetch = 0 : i64, scratch_operands = 8 : i64, tpu.core_type = #tpu.core_type<sc_vector_subcore>, window_params = [{transform_indices = #map}, {transform_indices = #map}, {transform_indices = #map1}, {transform_indices = #map}, {transform_indices = #map1}]} {
    %mul3A = arith.constant 2 : i32
    %mul3A_0 = arith.muli %arg1, %mul3A : i32
    %add3A = arith.addi %mul3A_0, %arg0 : i32
    %dma_start3A = arith.constant 0 : i32
    %dma_start3A_1 = tpu.memref_slice %arg3[%add3A, %dma_start3A] : memref<32x10088xi32, #tpu.memory_space<hbm>> -> memref<1x10088xi32, #tpu.memory_space<hbm>>
    %dma_start3A_2 = tpu.memref_squeeze %dma_start3A_1 : memref<1x10088xi32, #tpu.memory_space<hbm>> -> memref<10088xi32, #tpu.memory_space<hbm>>
    %dma_start3A_3 = arith.constant 0 : i32
    %dma_start3A_4 = tpu.memref_slice %arg3[%add3A, %dma_start3A_3] : memref<32x10088xi32, #tpu.memory_space<hbm>> -> memref<1x10088xi32, #tpu.memory_space<hbm>>
    %dma_start3A_5 = tpu.memref_squeeze %dma_start3A_4 : memref<1x10088xi32, #tpu.memory_space<hbm>> -> memref<10088xi32, #tpu.memory_space<hbm>>
    tpu.enqueue_dma source(%dma_start3A_5 : memref<10088xi32, #tpu.memory_space<hbm>>) target(%arg7 : memref<10088xi32, #tpu.memory_space<vmem>>) target_semaphore(%arg12 : memref<!tpu.dma_semaphore, #tpu.memory_space<semaphore_mem>>)
    %dma_start3A_6 = arith.constant 0 : i32
    %dma_start3A_7 = arith.constant 0 : i32
    %dma_start3A_8 = tpu.memref_slice %arg4[%add3A, %dma_start3A_6, %dma_start3A_7] : memref<32x97x104xi32, #tpu.memory_space<hbm>> -> memref<1x97x104xi32, #tpu.memory_space<hbm>>
    %dma_start3A_9 = tpu.memref_squeeze %dma_start3A_8 : memref<1x97x104xi32, #tpu.memory_space<hbm>> -> memref<97x104xi32, #tpu.memory_space<hbm>>
    %dma_start3A_10 = arith.constant 0 : i32
    %dma_start3A_11 = arith.constant 0 : i32
    %dma_start3A_12 = tpu.memref_slice %arg4[%add3A, %dma_start3A_10, %dma_start3A_11] : memref<32x97x104xi32, #tpu.memory_space<hbm>> -> memref<1x97x104xi32, #tpu.memory_space<hbm>>
    %dma_start3A_13 = tpu.memref_squeeze %dma_start3A_12 : memref<1x97x104xi32, #tpu.memory_space<hbm>> -> memref<97x104xi32, #tpu.memory_space<hbm>>
    tpu.enqueue_dma source(%dma_start3A_13 : memref<97x104xi32, #tpu.memory_space<hbm>>) target(%arg8 : memref<97x104xi32, #tpu.memory_space<vmem>>) target_semaphore(%arg13 : memref<!tpu.dma_semaphore, #tpu.memory_space<semaphore_mem>>)
    %mul3A_14 = arith.constant 632 : i32
    %mul3A_15 = arith.muli %arg1, %mul3A_14 : i32
    %dma_start3A_16 = arith.constant 0 : i32
    %dma_start3A_17 = tpu.memref_slice %arg11[%mul3A_15, %dma_start3A_16] : memref<10112x128xf32, #tpu.memory_space<vmem_shared>> -> memref<632x128xf32, #tpu.memory_space<vmem_shared>>
    tpu.enqueue_dma source(%arg5 : memref<632x128xf32, #tpu.memory_space<hbm>>) target(%dma_start3A_17 : memref<632x128xf32, #tpu.memory_space<vmem_shared>>) target_semaphore(%arg14 : memref<!tpu.dma_semaphore, #tpu.memory_space<semaphore_mem>>)
    %dma_wait3A = arith.constant 0 : i32
    %dma_wait3A_18 = tpu.memref_slice %arg3[%add3A, %dma_wait3A] : memref<32x10088xi32, #tpu.memory_space<hbm>> -> memref<1x10088xi32, #tpu.memory_space<hbm>>
    %dma_wait3A_19 = tpu.memref_squeeze %dma_wait3A_18 : memref<1x10088xi32, #tpu.memory_space<hbm>> -> memref<10088xi32, #tpu.memory_space<hbm>>
    %dma_wait3A_20 = arith.constant 0 : i32
    %dma_wait3A_21 = tpu.memref_slice %arg3[%add3A, %dma_wait3A_20] : memref<32x10088xi32, #tpu.memory_space<hbm>> -> memref<1x10088xi32, #tpu.memory_space<hbm>>
    %dma_wait3A_22 = tpu.memref_squeeze %dma_wait3A_21 : memref<1x10088xi32, #tpu.memory_space<hbm>> -> memref<10088xi32, #tpu.memory_space<hbm>>
    tpu.wait_dma2 semaphore(%arg12 : memref<!tpu.dma_semaphore, #tpu.memory_space<semaphore_mem>>) src(%dma_wait3A_22 : memref<10088xi32, #tpu.memory_space<hbm>>) dst(%arg7 : memref<10088xi32, #tpu.memory_space<vmem>>)
    %dma_wait3A_23 = arith.constant 0 : i32
    %dma_wait3A_24 = arith.constant 0 : i32
    %dma_wait3A_25 = tpu.memref_slice %arg4[%add3A, %dma_wait3A_23, %dma_wait3A_24] : memref<32x97x104xi32, #tpu.memory_space<hbm>> -> memref<1x97x104xi32, #tpu.memory_space<hbm>>
    %dma_wait3A_26 = tpu.memref_squeeze %dma_wait3A_25 : memref<1x97x104xi32, #tpu.memory_space<hbm>> -> memref<97x104xi32, #tpu.memory_space<hbm>>
    %dma_wait3A_27 = arith.constant 0 : i32
    %dma_wait3A_28 = arith.constant 0 : i32
    %dma_wait3A_29 = tpu.memref_slice %arg4[%add3A, %dma_wait3A_27, %dma_wait3A_28] : memref<32x97x104xi32, #tpu.memory_space<hbm>> -> memref<1x97x104xi32, #tpu.memory_space<hbm>>
    %dma_wait3A_30 = tpu.memref_squeeze %dma_wait3A_29 : memref<1x97x104xi32, #tpu.memory_space<hbm>> -> memref<97x104xi32, #tpu.memory_space<hbm>>
    tpu.wait_dma2 semaphore(%arg13 : memref<!tpu.dma_semaphore, #tpu.memory_space<semaphore_mem>>) src(%dma_wait3A_30 : memref<97x104xi32, #tpu.memory_space<hbm>>) dst(%arg8 : memref<97x104xi32, #tpu.memory_space<vmem>>)
    %dma_start3A_31 = arith.constant 0 : i32
    %dma_start3A_32 = tpu.memref_slice %arg7[%dma_start3A_31] : memref<10088xi32, #tpu.memory_space<vmem>> -> memref<104xi32, #tpu.memory_space<vmem>>
    %dma_start3A_33 = arith.constant 0 : i32
    %dma_start3A_34 = arith.constant 0 : i32
    %dma_start3A_35 = tpu.memref_slice %arg2[%dma_start3A_33, %dma_start3A_34] : memref<10000x128xf32, #tpu.memory_space<hbm>> -> memref<10000x128xf32, #tpu.memory_space<hbm>>
    tpu.enqueue_indirect_dma source(%dma_start3A_35 : memref<10000x128xf32, #tpu.memory_space<hbm>>) target(%arg9 : memref<104x128xf32, #tpu.memory_space<vmem>>) offsets(%dma_start3A_32 : memref<104xi32, #tpu.memory_space<vmem>>) semaphore(%arg12 : memref<!tpu.dma_semaphore, #tpu.memory_space<semaphore_mem>>)
    %dma_start3A_36 = arith.constant 104 : i32
    %dma_start3A_37 = tpu.memref_slice %arg7[%dma_start3A_36] : memref<10088xi32, #tpu.memory_space<vmem>> -> memref<104xi32, #tpu.memory_space<vmem>>
    %dma_start3A_38 = arith.constant 0 : i32
    %dma_start3A_39 = arith.constant 0 : i32
    %dma_start3A_40 = tpu.memref_slice %arg2[%dma_start3A_38, %dma_start3A_39] : memref<10000x128xf32, #tpu.memory_space<hbm>> -> memref<10000x128xf32, #tpu.memory_space<hbm>>
    tpu.enqueue_indirect_dma source(%dma_start3A_40 : memref<10000x128xf32, #tpu.memory_space<hbm>>) target(%arg10 : memref<104x128xf32, #tpu.memory_space<vmem>>) offsets(%dma_start3A_37 : memref<104xi32, #tpu.memory_space<vmem>>) semaphore(%arg13 : memref<!tpu.dma_semaphore, #tpu.memory_space<semaphore_mem>>)
    %mul3A_41 = arith.constant 632 : i32
    %mul3A_42 = arith.muli %arg1, %mul3A_41 : i32
    %dma_wait3A_43 = arith.constant 0 : i32
    %dma_wait3A_44 = tpu.memref_slice %arg11[%mul3A_42, %dma_wait3A_43] : memref<10112x128xf32, #tpu.memory_space<vmem_shared>> -> memref<632x128xf32, #tpu.memory_space<vmem_shared>>
    tpu.wait_dma2 semaphore(%arg14 : memref<!tpu.dma_semaphore, #tpu.memory_space<semaphore_mem>>) src(%arg5 : memref<632x128xf32, #tpu.memory_space<hbm>>) dst(%dma_wait3A_44 : memref<632x128xf32, #tpu.memory_space<vmem_shared>>)
    %barrier3A = arith.constant 0 : index
    tpu.barrier barrier_id(%barrier3A)
    %scan3A = arith.constant 0 : i32
    %scan3A_45 = arith.constant 0 : i32
    %scan3A_46 = arith.constant 47 : i32
    %scan3A_47 = arith.addi %scan3A_45, %scan3A_46 : i32
    %scan3A_48 = arith.constant 1 : i32
    scf.for %scan3A_80 = %scan3A_45 to %scan3A_47 step %scan3A_48  : i32 {
      %mul3A_81 = arith.constant 2 : i32
      %mul3A_82 = arith.muli %mul3A_81, %scan3A_80 : i32
      %dma_wait3A_83 = arith.constant 0 : i32
      %dma_wait3A_84 = arith.constant 0 : i32
      %dma_wait3A_85 = tpu.memref_slice %arg2[%dma_wait3A_83, %dma_wait3A_84] : memref<10000x128xf32, #tpu.memory_space<hbm>> -> memref<104x128xf32, #tpu.memory_space<hbm>>
      %dma_wait3A_86 = arith.constant 0 : i32
      %dma_wait3A_87 = arith.constant 0 : i32
      %dma_wait3A_88 = tpu.memref_slice %arg2[%dma_wait3A_86, %dma_wait3A_87] : memref<10000x128xf32, #tpu.memory_space<hbm>> -> memref<104x128xf32, #tpu.memory_space<hbm>>
      tpu.wait_dma2 semaphore(%arg12 : memref<!tpu.dma_semaphore, #tpu.memory_space<semaphore_mem>>) src(%dma_wait3A_88 : memref<104x128xf32, #tpu.memory_space<hbm>>) dst(%arg9 : memref<104x128xf32, #tpu.memory_space<vmem>>)
      "tpu.region"() ({
        %run_scoped3A_113 = tpu.sem_alloc : memref<!tpu.dma_semaphore, #tpu.memory_space<semaphore_mem>>
        %dma_start3A_114 = arith.constant 0 : i32
        %dma_start3A_115 = tpu.memref_slice %arg8[%mul3A_82, %dma_start3A_114] : memref<97x104xi32, #tpu.memory_space<vmem>> -> memref<1x104xi32, #tpu.memory_space<vmem>>
        %dma_start3A_116 = tpu.memref_squeeze %dma_start3A_115 : memref<1x104xi32, #tpu.memory_space<vmem>> -> memref<104xi32, #tpu.memory_space<vmem>>
        %dma_start3A_117 = arith.constant 0 : i32
        %dma_start3A_118 = arith.constant 0 : i32
        %dma_start3A_119 = tpu.memref_slice %arg11[%dma_start3A_117, %dma_start3A_118] : memref<10112x128xf32, #tpu.memory_space<vmem_shared>> -> memref<10112x128xf32, #tpu.memory_space<vmem_shared>>
        tpu.enqueue_indirect_dma source(%arg9 : memref<104x128xf32, #tpu.memory_space<vmem>>) target(%dma_start3A_119 : memref<10112x128xf32, #tpu.memory_space<vmem_shared>>) offsets(%dma_start3A_116 : memref<104xi32, #tpu.memory_space<vmem>>) semaphore(%run_scoped3A_113 : memref<!tpu.dma_semaphore, #tpu.memory_space<semaphore_mem>>) {add = true}
        %dma_wait3A_120 = arith.constant 0 : i32
        %dma_wait3A_121 = tpu.memref_slice %arg8[%mul3A_82, %dma_wait3A_120] : memref<97x104xi32, #tpu.memory_space<vmem>> -> memref<1x104xi32, #tpu.memory_space<vmem>>
        %dma_wait3A_122 = tpu.memref_squeeze %dma_wait3A_121 : memref<1x104xi32, #tpu.memory_space<vmem>> -> memref<104xi32, #tpu.memory_space<vmem>>
        %dma_wait3A_123 = arith.constant 0 : i32
        %dma_wait3A_124 = arith.constant 0 : i32
        %dma_wait3A_125 = tpu.memref_slice %arg11[%dma_wait3A_123, %dma_wait3A_124] : memref<10112x128xf32, #tpu.memory_space<vmem_shared>> -> memref<10112x128xf32, #tpu.memory_space<vmem_shared>>
        tpu.wait_indirect_dma semaphore(%run_scoped3A_113 : memref<!tpu.dma_semaphore, #tpu.memory_space<semaphore_mem>>) src(%arg9 : memref<104x128xf32, #tpu.memory_space<vmem>>) dst(%dma_wait3A_125 : memref<10112x128xf32, #tpu.memory_space<vmem_shared>>)
        tpu.yield
      }) : () -> ()
      %add3A_89 = arith.constant 2 : i32
      %add3A_90 = arith.addi %mul3A_82, %add3A_89 : i32
      %mul3A_91 = arith.constant 104 : i32
      %mul3A_92 = arith.muli %add3A_90, %mul3A_91 : i32
      %dma_start3A_93 = tpu.memref_slice %arg7[%mul3A_92] : memref<10088xi32, #tpu.memory_space<vmem>> -> memref<104xi32, #tpu.memory_space<vmem>>
      %dma_start3A_94 = arith.constant 0 : i32
      %dma_start3A_95 = arith.constant 0 : i32
      %dma_start3A_96 = tpu.memref_slice %arg2[%dma_start3A_94, %dma_start3A_95] : memref<10000x128xf32, #tpu.memory_space<hbm>> -> memref<10000x128xf32, #tpu.memory_space<hbm>>
      tpu.enqueue_indirect_dma source(%dma_start3A_96 : memref<10000x128xf32, #tpu.memory_space<hbm>>) target(%arg9 : memref<104x128xf32, #tpu.memory_space<vmem>>) offsets(%dma_start3A_93 : memref<104xi32, #tpu.memory_space<vmem>>) semaphore(%arg12 : memref<!tpu.dma_semaphore, #tpu.memory_space<semaphore_mem>>)
      %dma_wait3A_97 = arith.constant 0 : i32
      %dma_wait3A_98 = arith.constant 0 : i32
      %dma_wait3A_99 = tpu.memref_slice %arg2[%dma_wait3A_97, %dma_wait3A_98] : memref<10000x128xf32, #tpu.memory_space<hbm>> -> memref<104x128xf32, #tpu.memory_space<hbm>>
      %dma_wait3A_100 = arith.constant 0 : i32
      %dma_wait3A_101 = arith.constant 0 : i32
      %dma_wait3A_102 = tpu.memref_slice %arg2[%dma_wait3A_100, %dma_wait3A_101] : memref<10000x128xf32, #tpu.memory_space<hbm>> -> memref<104x128xf32, #tpu.memory_space<hbm>>
      tpu.wait_dma2 semaphore(%arg13 : memref<!tpu.dma_semaphore, #tpu.memory_space<semaphore_mem>>) src(%dma_wait3A_102 : memref<104x128xf32, #tpu.memory_space<hbm>>) dst(%arg10 : memref<104x128xf32, #tpu.memory_space<vmem>>)
      %add3A_103 = arith.constant 1 : i32
      %add3A_104 = arith.addi %mul3A_82, %add3A_103 : i32
      "tpu.region"() ({
        %run_scoped3A_113 = tpu.sem_alloc : memref<!tpu.dma_semaphore, #tpu.memory_space<semaphore_mem>>
        %dma_start3A_114 = arith.constant 0 : i32
        %dma_start3A_115 = tpu.memref_slice %arg8[%add3A_104, %dma_start3A_114] : memref<97x104xi32, #tpu.memory_space<vmem>> -> memref<1x104xi32, #tpu.memory_space<vmem>>
        %dma_start3A_116 = tpu.memref_squeeze %dma_start3A_115 : memref<1x104xi32, #tpu.memory_space<vmem>> -> memref<104xi32, #tpu.memory_space<vmem>>
        %dma_start3A_117 = arith.constant 0 : i32
        %dma_start3A_118 = arith.constant 0 : i32
        %dma_start3A_119 = tpu.memref_slice %arg11[%dma_start3A_117, %dma_start3A_118] : memref<10112x128xf32, #tpu.memory_space<vmem_shared>> -> memref<10112x128xf32, #tpu.memory_space<vmem_shared>>
        tpu.enqueue_indirect_dma source(%arg10 : memref<104x128xf32, #tpu.memory_space<vmem>>) target(%dma_start3A_119 : memref<10112x128xf32, #tpu.memory_space<vmem_shared>>) offsets(%dma_start3A_116 : memref<104xi32, #tpu.memory_space<vmem>>) semaphore(%run_scoped3A_113 : memref<!tpu.dma_semaphore, #tpu.memory_space<semaphore_mem>>) {add = true}
        %dma_wait3A_120 = arith.constant 0 : i32
        %dma_wait3A_121 = tpu.memref_slice %arg8[%add3A_104, %dma_wait3A_120] : memref<97x104xi32, #tpu.memory_space<vmem>> -> memref<1x104xi32, #tpu.memory_space<vmem>>
        %dma_wait3A_122 = tpu.memref_squeeze %dma_wait3A_121 : memref<1x104xi32, #tpu.memory_space<vmem>> -> memref<104xi32, #tpu.memory_space<vmem>>
        %dma_wait3A_123 = arith.constant 0 : i32
        %dma_wait3A_124 = arith.constant 0 : i32
        %dma_wait3A_125 = tpu.memref_slice %arg11[%dma_wait3A_123, %dma_wait3A_124] : memref<10112x128xf32, #tpu.memory_space<vmem_shared>> -> memref<10112x128xf32, #tpu.memory_space<vmem_shared>>
        tpu.wait_indirect_dma semaphore(%run_scoped3A_113 : memref<!tpu.dma_semaphore, #tpu.memory_space<semaphore_mem>>) src(%arg10 : memref<104x128xf32, #tpu.memory_space<vmem>>) dst(%dma_wait3A_125 : memref<10112x128xf32, #tpu.memory_space<vmem_shared>>)
        tpu.yield
      }) : () -> ()
      %add3A_105 = arith.constant 3 : i32
      %add3A_106 = arith.addi %mul3A_82, %add3A_105 : i32
      %mul3A_107 = arith.constant 104 : i32
      %mul3A_108 = arith.muli %add3A_106, %mul3A_107 : i32
      %dma_start3A_109 = tpu.memref_slice %arg7[%mul3A_108] : memref<10088xi32, #tpu.memory_space<vmem>> -> memref<104xi32, #tpu.memory_space<vmem>>
      %dma_start3A_110 = arith.constant 0 : i32
      %dma_start3A_111 = arith.constant 0 : i32
      %dma_start3A_112 = tpu.memref_slice %arg2[%dma_start3A_110, %dma_start3A_111] : memref<10000x128xf32, #tpu.memory_space<hbm>> -> memref<10000x128xf32, #tpu.memory_space<hbm>>
      tpu.enqueue_indirect_dma source(%dma_start3A_112 : memref<10000x128xf32, #tpu.memory_space<hbm>>) target(%arg10 : memref<104x128xf32, #tpu.memory_space<vmem>>) offsets(%dma_start3A_109 : memref<104xi32, #tpu.memory_space<vmem>>) semaphore(%arg13 : memref<!tpu.dma_semaphore, #tpu.memory_space<semaphore_mem>>)
    }
    %scan3A_49 = arith.constant 47 : i32
    %dma_wait3A_50 = arith.constant 0 : i32
    %dma_wait3A_51 = arith.constant 0 : i32
    %dma_wait3A_52 = tpu.memref_slice %arg2[%dma_wait3A_50, %dma_wait3A_51] : memref<10000x128xf32, #tpu.memory_space<hbm>> -> memref<104x128xf32, #tpu.memory_space<hbm>>
    %dma_wait3A_53 = arith.constant 0 : i32
    %dma_wait3A_54 = arith.constant 0 : i32
    %dma_wait3A_55 = tpu.memref_slice %arg2[%dma_wait3A_53, %dma_wait3A_54] : memref<10000x128xf32, #tpu.memory_space<hbm>> -> memref<104x128xf32, #tpu.memory_space<hbm>>
    tpu.wait_dma2 semaphore(%arg12 : memref<!tpu.dma_semaphore, #tpu.memory_space<semaphore_mem>>) src(%dma_wait3A_55 : memref<104x128xf32, #tpu.memory_space<hbm>>) dst(%arg9 : memref<104x128xf32, #tpu.memory_space<vmem>>)
    %run_scoped3A = arith.constant 94 : i32
    "tpu.region"() ({
      %run_scoped3A_80 = tpu.sem_alloc : memref<!tpu.dma_semaphore, #tpu.memory_space<semaphore_mem>>
      %dma_start3A_81 = arith.constant 0 : i32
      %dma_start3A_82 = tpu.memref_slice %arg8[%run_scoped3A, %dma_start3A_81] : memref<97x104xi32, #tpu.memory_space<vmem>> -> memref<1x104xi32, #tpu.memory_space<vmem>>
      %dma_start3A_83 = tpu.memref_squeeze %dma_start3A_82 : memref<1x104xi32, #tpu.memory_space<vmem>> -> memref<104xi32, #tpu.memory_space<vmem>>
      %dma_start3A_84 = arith.constant 0 : i32
      %dma_start3A_85 = arith.constant 0 : i32
      %dma_start3A_86 = tpu.memref_slice %arg11[%dma_start3A_84, %dma_start3A_85] : memref<10112x128xf32, #tpu.memory_space<vmem_shared>> -> memref<10112x128xf32, #tpu.memory_space<vmem_shared>>
      tpu.enqueue_indirect_dma source(%arg9 : memref<104x128xf32, #tpu.memory_space<vmem>>) target(%dma_start3A_86 : memref<10112x128xf32, #tpu.memory_space<vmem_shared>>) offsets(%dma_start3A_83 : memref<104xi32, #tpu.memory_space<vmem>>) semaphore(%run_scoped3A_80 : memref<!tpu.dma_semaphore, #tpu.memory_space<semaphore_mem>>) {add = true}
      %dma_wait3A_87 = arith.constant 0 : i32
      %dma_wait3A_88 = tpu.memref_slice %arg8[%run_scoped3A, %dma_wait3A_87] : memref<97x104xi32, #tpu.memory_space<vmem>> -> memref<1x104xi32, #tpu.memory_space<vmem>>
      %dma_wait3A_89 = tpu.memref_squeeze %dma_wait3A_88 : memref<1x104xi32, #tpu.memory_space<vmem>> -> memref<104xi32, #tpu.memory_space<vmem>>
      %dma_wait3A_90 = arith.constant 0 : i32
      %dma_wait3A_91 = arith.constant 0 : i32
      %dma_wait3A_92 = tpu.memref_slice %arg11[%dma_wait3A_90, %dma_wait3A_91] : memref<10112x128xf32, #tpu.memory_space<vmem_shared>> -> memref<10112x128xf32, #tpu.memory_space<vmem_shared>>
      tpu.wait_indirect_dma semaphore(%run_scoped3A_80 : memref<!tpu.dma_semaphore, #tpu.memory_space<semaphore_mem>>) src(%arg9 : memref<104x128xf32, #tpu.memory_space<vmem>>) dst(%dma_wait3A_92 : memref<10112x128xf32, #tpu.memory_space<vmem_shared>>)
      tpu.yield
    }) : () -> ()
    %dma_start3A_56 = arith.constant 9984 : i32
    %dma_start3A_57 = tpu.memref_slice %arg7[%dma_start3A_56] : memref<10088xi32, #tpu.memory_space<vmem>> -> memref<104xi32, #tpu.memory_space<vmem>>
    %dma_start3A_58 = arith.constant 0 : i32
    %dma_start3A_59 = arith.constant 0 : i32
    %dma_start3A_60 = tpu.memref_slice %arg2[%dma_start3A_58, %dma_start3A_59] : memref<10000x128xf32, #tpu.memory_space<hbm>> -> memref<10000x128xf32, #tpu.memory_space<hbm>>
    tpu.enqueue_indirect_dma source(%dma_start3A_60 : memref<10000x128xf32, #tpu.memory_space<hbm>>) target(%arg9 : memref<104x128xf32, #tpu.memory_space<vmem>>) offsets(%dma_start3A_57 : memref<104xi32, #tpu.memory_space<vmem>>) semaphore(%arg12 : memref<!tpu.dma_semaphore, #tpu.memory_space<semaphore_mem>>)
    %dma_wait3A_61 = arith.constant 0 : i32
    %dma_wait3A_62 = arith.constant 0 : i32
    %dma_wait3A_63 = tpu.memref_slice %arg2[%dma_wait3A_61, %dma_wait3A_62] : memref<10000x128xf32, #tpu.memory_space<hbm>> -> memref<104x128xf32, #tpu.memory_space<hbm>>
    %dma_wait3A_64 = arith.constant 0 : i32
    %dma_wait3A_65 = arith.constant 0 : i32
    %dma_wait3A_66 = tpu.memref_slice %arg2[%dma_wait3A_64, %dma_wait3A_65] : memref<10000x128xf32, #tpu.memory_space<hbm>> -> memref<104x128xf32, #tpu.memory_space<hbm>>
    tpu.wait_dma2 semaphore(%arg13 : memref<!tpu.dma_semaphore, #tpu.memory_space<semaphore_mem>>) src(%dma_wait3A_66 : memref<104x128xf32, #tpu.memory_space<hbm>>) dst(%arg10 : memref<104x128xf32, #tpu.memory_space<vmem>>)
    %run_scoped3A_67 = arith.constant 95 : i32
    "tpu.region"() ({
      %run_scoped3A_80 = tpu.sem_alloc : memref<!tpu.dma_semaphore, #tpu.memory_space<semaphore_mem>>
      %dma_start3A_81 = arith.constant 0 : i32
      %dma_start3A_82 = tpu.memref_slice %arg8[%run_scoped3A_67, %dma_start3A_81] : memref<97x104xi32, #tpu.memory_space<vmem>> -> memref<1x104xi32, #tpu.memory_space<vmem>>
      %dma_start3A_83 = tpu.memref_squeeze %dma_start3A_82 : memref<1x104xi32, #tpu.memory_space<vmem>> -> memref<104xi32, #tpu.memory_space<vmem>>
      %dma_start3A_84 = arith.constant 0 : i32
      %dma_start3A_85 = arith.constant 0 : i32
      %dma_start3A_86 = tpu.memref_slice %arg11[%dma_start3A_84, %dma_start3A_85] : memref<10112x128xf32, #tpu.memory_space<vmem_shared>> -> memref<10112x128xf32, #tpu.memory_space<vmem_shared>>
      tpu.enqueue_indirect_dma source(%arg10 : memref<104x128xf32, #tpu.memory_space<vmem>>) target(%dma_start3A_86 : memref<10112x128xf32, #tpu.memory_space<vmem_shared>>) offsets(%dma_start3A_83 : memref<104xi32, #tpu.memory_space<vmem>>) semaphore(%run_scoped3A_80 : memref<!tpu.dma_semaphore, #tpu.memory_space<semaphore_mem>>) {add = true}
      %dma_wait3A_87 = arith.constant 0 : i32
      %dma_wait3A_88 = tpu.memref_slice %arg8[%run_scoped3A_67, %dma_wait3A_87] : memref<97x104xi32, #tpu.memory_space<vmem>> -> memref<1x104xi32, #tpu.memory_space<vmem>>
      %dma_wait3A_89 = tpu.memref_squeeze %dma_wait3A_88 : memref<1x104xi32, #tpu.memory_space<vmem>> -> memref<104xi32, #tpu.memory_space<vmem>>
      %dma_wait3A_90 = arith.constant 0 : i32
      %dma_wait3A_91 = arith.constant 0 : i32
      %dma_wait3A_92 = tpu.memref_slice %arg11[%dma_wait3A_90, %dma_wait3A_91] : memref<10112x128xf32, #tpu.memory_space<vmem_shared>> -> memref<10112x128xf32, #tpu.memory_space<vmem_shared>>
      tpu.wait_indirect_dma semaphore(%run_scoped3A_80 : memref<!tpu.dma_semaphore, #tpu.memory_space<semaphore_mem>>) src(%arg10 : memref<104x128xf32, #tpu.memory_space<vmem>>) dst(%dma_wait3A_92 : memref<10112x128xf32, #tpu.memory_space<vmem_shared>>)
      tpu.yield
    }) : () -> ()
    %dma_wait3A_68 = arith.constant 0 : i32
    %dma_wait3A_69 = arith.constant 0 : i32
    %dma_wait3A_70 = tpu.memref_slice %arg2[%dma_wait3A_68, %dma_wait3A_69] : memref<10000x128xf32, #tpu.memory_space<hbm>> -> memref<104x128xf32, #tpu.memory_space<hbm>>
    %dma_wait3A_71 = arith.constant 0 : i32
    %dma_wait3A_72 = arith.constant 0 : i32
    %dma_wait3A_73 = tpu.memref_slice %arg2[%dma_wait3A_71, %dma_wait3A_72] : memref<10000x128xf32, #tpu.memory_space<hbm>> -> memref<104x128xf32, #tpu.memory_space<hbm>>
    tpu.wait_dma2 semaphore(%arg12 : memref<!tpu.dma_semaphore, #tpu.memory_space<semaphore_mem>>) src(%dma_wait3A_73 : memref<104x128xf32, #tpu.memory_space<hbm>>) dst(%arg9 : memref<104x128xf32, #tpu.memory_space<vmem>>)
    %run_scoped3A_74 = arith.constant 96 : i32
    "tpu.region"() ({
      %run_scoped3A_80 = tpu.sem_alloc : memref<!tpu.dma_semaphore, #tpu.memory_space<semaphore_mem>>
      %dma_start3A_81 = arith.constant 0 : i32
      %dma_start3A_82 = tpu.memref_slice %arg8[%run_scoped3A_74, %dma_start3A_81] : memref<97x104xi32, #tpu.memory_space<vmem>> -> memref<1x104xi32, #tpu.memory_space<vmem>>
      %dma_start3A_83 = tpu.memref_squeeze %dma_start3A_82 : memref<1x104xi32, #tpu.memory_space<vmem>> -> memref<104xi32, #tpu.memory_space<vmem>>
      %dma_start3A_84 = arith.constant 0 : i32
      %dma_start3A_85 = arith.constant 0 : i32
      %dma_start3A_86 = tpu.memref_slice %arg11[%dma_start3A_84, %dma_start3A_85] : memref<10112x128xf32, #tpu.memory_space<vmem_shared>> -> memref<10112x128xf32, #tpu.memory_space<vmem_shared>>
      tpu.enqueue_indirect_dma source(%arg9 : memref<104x128xf32, #tpu.memory_space<vmem>>) target(%dma_start3A_86 : memref<10112x128xf32, #tpu.memory_space<vmem_shared>>) offsets(%dma_start3A_83 : memref<104xi32, #tpu.memory_space<vmem>>) semaphore(%run_scoped3A_80 : memref<!tpu.dma_semaphore, #tpu.memory_space<semaphore_mem>>) {add = true}
      %dma_wait3A_87 = arith.constant 0 : i32
      %dma_wait3A_88 = tpu.memref_slice %arg8[%run_scoped3A_74, %dma_wait3A_87] : memref<97x104xi32, #tpu.memory_space<vmem>> -> memref<1x104xi32, #tpu.memory_space<vmem>>
      %dma_wait3A_89 = tpu.memref_squeeze %dma_wait3A_88 : memref<1x104xi32, #tpu.memory_space<vmem>> -> memref<104xi32, #tpu.memory_space<vmem>>
      %dma_wait3A_90 = arith.constant 0 : i32
      %dma_wait3A_91 = arith.constant 0 : i32
      %dma_wait3A_92 = tpu.memref_slice %arg11[%dma_wait3A_90, %dma_wait3A_91] : memref<10112x128xf32, #tpu.memory_space<vmem_shared>> -> memref<10112x128xf32, #tpu.memory_space<vmem_shared>>
      tpu.wait_indirect_dma semaphore(%run_scoped3A_80 : memref<!tpu.dma_semaphore, #tpu.memory_space<semaphore_mem>>) src(%arg9 : memref<104x128xf32, #tpu.memory_space<vmem>>) dst(%dma_wait3A_92 : memref<10112x128xf32, #tpu.memory_space<vmem_shared>>)
      tpu.yield
    }) : () -> ()
    %barrier3A_75 = arith.constant 0 : index
    tpu.barrier barrier_id(%barrier3A_75)
    %mul3A_76 = arith.constant 632 : i32
    %mul3A_77 = arith.muli %arg1, %mul3A_76 : i32
    %mul3A_78 = arith.constant 632 : i32
    %mul3A_79 = arith.muli %arg1, %mul3A_78 : i32
    "tpu.region"() ({
      %run_scoped3A_80 = tpu.sem_alloc : memref<!tpu.dma_semaphore, #tpu.memory_space<semaphore_mem>>
      %dma_start3A_81 = arith.constant 0 : i32
      %dma_start3A_82 = tpu.memref_slice %arg6[%arg0, %mul3A_79, %dma_start3A_81] : memref<2x10112x128xf32, #tpu.memory_space<hbm>> -> memref<1x632x128xf32, #tpu.memory_space<hbm>>
      %dma_start3A_83 = tpu.memref_squeeze %dma_start3A_82 : memref<1x632x128xf32, #tpu.memory_space<hbm>> -> memref<632x128xf32, #tpu.memory_space<hbm>>
      %dma_start3A_84 = arith.constant 0 : i32
      %dma_start3A_85 = tpu.memref_slice %arg11[%mul3A_77, %dma_start3A_84] : memref<10112x128xf32, #tpu.memory_space<vmem_shared>> -> memref<632x128xf32, #tpu.memory_space<vmem_shared>>
      tpu.enqueue_dma source(%dma_start3A_85 : memref<632x128xf32, #tpu.memory_space<vmem_shared>>) target(%dma_start3A_83 : memref<632x128xf32, #tpu.memory_space<hbm>>) target_semaphore(%run_scoped3A_80 : memref<!tpu.dma_semaphore, #tpu.memory_space<semaphore_mem>>)
      %dma_wait3A_86 = arith.constant 0 : i32
      %dma_wait3A_87 = tpu.memref_slice %arg6[%arg0, %mul3A_79, %dma_wait3A_86] : memref<2x10112x128xf32, #tpu.memory_space<hbm>> -> memref<1x632x128xf32, #tpu.memory_space<hbm>>
      %dma_wait3A_88 = tpu.memref_squeeze %dma_wait3A_87 : memref<1x632x128xf32, #tpu.memory_space<hbm>> -> memref<632x128xf32, #tpu.memory_space<hbm>>
      %dma_wait3A_89 = arith.constant 0 : i32
      %dma_wait3A_90 = tpu.memref_slice %arg11[%mul3A_77, %dma_wait3A_89] : memref<10112x128xf32, #tpu.memory_space<vmem_shared>> -> memref<632x128xf32, #tpu.memory_space<vmem_shared>>
      tpu.wait_dma2 semaphore(%run_scoped3A_80 : memref<!tpu.dma_semaphore, #tpu.memory_space<semaphore_mem>>) src(%dma_wait3A_90 : memref<632x128xf32, #tpu.memory_space<vmem_shared>>) dst(%dma_wait3A_88 : memref<632x128xf32, #tpu.memory_space<hbm>>)
      tpu.yield
    }) : () -> ()
    return
  }
}

#map = affine_map<(d0, d1) -> (0, 0)>
#map1 = affine_map<(d0, d1) -> (0, 0, 0)>
module attributes {stable_mosaic.version = 14 : i64} {
  func.func @_sc_aggregate(%arg0: i32, %arg1: i32, %arg2: memref<10000x128xf32, #tpu.memory_space<hbm>>, %arg3: memref<32x10088xi32, #tpu.memory_space<hbm>>, %arg4: memref<32x97x104xi32, #tpu.memory_space<hbm>>, %arg5: memref<632x128xf32, #tpu.memory_space<hbm>>, %arg6: memref<2x10112x128xf32, #tpu.memory_space<hbm>>, %arg7: memref<10088xi32, #tpu.memory_space<vmem>>, %arg8: memref<97x104xi32, #tpu.memory_space<vmem>>, %arg9: memref<104x128xf32, #tpu.memory_space<vmem>>, %arg10: memref<104x128xf32, #tpu.memory_space<vmem>>, %arg11: memref<10112x128xf32, #tpu.memory_space<vmem_shared>>, %arg12: memref<!tpu.dma_semaphore, #tpu.memory_space<semaphore_mem>>, %arg13: memref<!tpu.dma_semaphore, #tpu.memory_space<semaphore_mem>>, %arg14: memref<!tpu.dma_semaphore, #tpu.memory_space<semaphore_mem>>) attributes {dimension_semantics = [#tpu.dimension_semantics<core_parallel>, #tpu.dimension_semantics<subcore_parallel>], iteration_bounds = array<i64: 2, 16>, scalar_prefetch = 0 : i64, scratch_operands = 8 : i64, tpu.core_type = #tpu.core_type<sc_vector_subcore>, window_params = [{transform_indices = #map}, {transform_indices = #map}, {transform_indices = #map1}, {transform_indices = #map}, {transform_indices = #map1}]} {
    %mul3A = arith.constant 2 : i32
    %mul3A_0 = arith.muli %arg1, %mul3A : i32
    %add3A = arith.addi %mul3A_0, %arg0 : i32
    %dma_start3A = arith.constant 0 : i32
    %dma_start3A_1 = tpu.memref_slice %arg3[%add3A, %dma_start3A] : memref<32x10088xi32, #tpu.memory_space<hbm>> -> memref<1x10088xi32, #tpu.memory_space<hbm>>
    %dma_start3A_2 = tpu.memref_squeeze %dma_start3A_1 : memref<1x10088xi32, #tpu.memory_space<hbm>> -> memref<10088xi32, #tpu.memory_space<hbm>>
    %dma_start3A_3 = arith.constant 0 : i32
    %dma_start3A_4 = tpu.memref_slice %arg3[%add3A, %dma_start3A_3] : memref<32x10088xi32, #tpu.memory_space<hbm>> -> memref<1x10088xi32, #tpu.memory_space<hbm>>
    %dma_start3A_5 = tpu.memref_squeeze %dma_start3A_4 : memref<1x10088xi32, #tpu.memory_space<hbm>> -> memref<10088xi32, #tpu.memory_space<hbm>>
    tpu.enqueue_dma source(%dma_start3A_5 : memref<10088xi32, #tpu.memory_space<hbm>>) target(%arg7 : memref<10088xi32, #tpu.memory_space<vmem>>) target_semaphore(%arg12 : memref<!tpu.dma_semaphore, #tpu.memory_space<semaphore_mem>>)
    %dma_start3A_6 = arith.constant 0 : i32
    %dma_start3A_7 = arith.constant 0 : i32
    %dma_start3A_8 = tpu.memref_slice %arg4[%add3A, %dma_start3A_6, %dma_start3A_7] : memref<32x97x104xi32, #tpu.memory_space<hbm>> -> memref<1x97x104xi32, #tpu.memory_space<hbm>>
    %dma_start3A_9 = tpu.memref_squeeze %dma_start3A_8 : memref<1x97x104xi32, #tpu.memory_space<hbm>> -> memref<97x104xi32, #tpu.memory_space<hbm>>
    %dma_start3A_10 = arith.constant 0 : i32
    %dma_start3A_11 = arith.constant 0 : i32
    %dma_start3A_12 = tpu.memref_slice %arg4[%add3A, %dma_start3A_10, %dma_start3A_11] : memref<32x97x104xi32, #tpu.memory_space<hbm>> -> memref<1x97x104xi32, #tpu.memory_space<hbm>>
    %dma_start3A_13 = tpu.memref_squeeze %dma_start3A_12 : memref<1x97x104xi32, #tpu.memory_space<hbm>> -> memref<97x104xi32, #tpu.memory_space<hbm>>
    tpu.enqueue_dma source(%dma_start3A_13 : memref<97x104xi32, #tpu.memory_space<hbm>>) target(%arg8 : memref<97x104xi32, #tpu.memory_space<vmem>>) target_semaphore(%arg13 : memref<!tpu.dma_semaphore, #tpu.memory_space<semaphore_mem>>)
    %mul3A_14 = arith.constant 632 : i32
    %mul3A_15 = arith.muli %arg1, %mul3A_14 : i32
    %dma_start3A_16 = arith.constant 0 : i32
    %dma_start3A_17 = tpu.memref_slice %arg11[%mul3A_15, %dma_start3A_16] : memref<10112x128xf32, #tpu.memory_space<vmem_shared>> -> memref<632x128xf32, #tpu.memory_space<vmem_shared>>
    tpu.enqueue_dma source(%arg5 : memref<632x128xf32, #tpu.memory_space<hbm>>) target(%dma_start3A_17 : memref<632x128xf32, #tpu.memory_space<vmem_shared>>) target_semaphore(%arg14 : memref<!tpu.dma_semaphore, #tpu.memory_space<semaphore_mem>>)
    %dma_wait3A = arith.constant 0 : i32
    %dma_wait3A_18 = tpu.memref_slice %arg3[%add3A, %dma_wait3A] : memref<32x10088xi32, #tpu.memory_space<hbm>> -> memref<1x10088xi32, #tpu.memory_space<hbm>>
    %dma_wait3A_19 = tpu.memref_squeeze %dma_wait3A_18 : memref<1x10088xi32, #tpu.memory_space<hbm>> -> memref<10088xi32, #tpu.memory_space<hbm>>
    %dma_wait3A_20 = arith.constant 0 : i32
    %dma_wait3A_21 = tpu.memref_slice %arg3[%add3A, %dma_wait3A_20] : memref<32x10088xi32, #tpu.memory_space<hbm>> -> memref<1x10088xi32, #tpu.memory_space<hbm>>
    %dma_wait3A_22 = tpu.memref_squeeze %dma_wait3A_21 : memref<1x10088xi32, #tpu.memory_space<hbm>> -> memref<10088xi32, #tpu.memory_space<hbm>>
    tpu.wait_dma2 semaphore(%arg12 : memref<!tpu.dma_semaphore, #tpu.memory_space<semaphore_mem>>) src(%dma_wait3A_22 : memref<10088xi32, #tpu.memory_space<hbm>>) dst(%arg7 : memref<10088xi32, #tpu.memory_space<vmem>>)
    %dma_wait3A_23 = arith.constant 0 : i32
    %dma_wait3A_24 = arith.constant 0 : i32
    %dma_wait3A_25 = tpu.memref_slice %arg4[%add3A, %dma_wait3A_23, %dma_wait3A_24] : memref<32x97x104xi32, #tpu.memory_space<hbm>> -> memref<1x97x104xi32, #tpu.memory_space<hbm>>
    %dma_wait3A_26 = tpu.memref_squeeze %dma_wait3A_25 : memref<1x97x104xi32, #tpu.memory_space<hbm>> -> memref<97x104xi32, #tpu.memory_space<hbm>>
    %dma_wait3A_27 = arith.constant 0 : i32
    %dma_wait3A_28 = arith.constant 0 : i32
    %dma_wait3A_29 = tpu.memref_slice %arg4[%add3A, %dma_wait3A_27, %dma_wait3A_28] : memref<32x97x104xi32, #tpu.memory_space<hbm>> -> memref<1x97x104xi32, #tpu.memory_space<hbm>>
    %dma_wait3A_30 = tpu.memref_squeeze %dma_wait3A_29 : memref<1x97x104xi32, #tpu.memory_space<hbm>> -> memref<97x104xi32, #tpu.memory_space<hbm>>
    tpu.wait_dma2 semaphore(%arg13 : memref<!tpu.dma_semaphore, #tpu.memory_space<semaphore_mem>>) src(%dma_wait3A_30 : memref<97x104xi32, #tpu.memory_space<hbm>>) dst(%arg8 : memref<97x104xi32, #tpu.memory_space<vmem>>)
    %dma_start3A_31 = arith.constant 0 : i32
    %dma_start3A_32 = tpu.memref_slice %arg7[%dma_start3A_31] : memref<10088xi32, #tpu.memory_space<vmem>> -> memref<104xi32, #tpu.memory_space<vmem>>
    %dma_start3A_33 = arith.constant 0 : i32
    %dma_start3A_34 = arith.constant 0 : i32
    %dma_start3A_35 = tpu.memref_slice %arg2[%dma_start3A_33, %dma_start3A_34] : memref<10000x128xf32, #tpu.memory_space<hbm>> -> memref<10000x128xf32, #tpu.memory_space<hbm>>
    tpu.enqueue_indirect_dma source(%dma_start3A_35 : memref<10000x128xf32, #tpu.memory_space<hbm>>) target(%arg9 : memref<104x128xf32, #tpu.memory_space<vmem>>) offsets(%dma_start3A_32 : memref<104xi32, #tpu.memory_space<vmem>>) semaphore(%arg12 : memref<!tpu.dma_semaphore, #tpu.memory_space<semaphore_mem>>)
    %dma_start3A_36 = arith.constant 104 : i32
    %dma_start3A_37 = tpu.memref_slice %arg7[%dma_start3A_36] : memref<10088xi32, #tpu.memory_space<vmem>> -> memref<104xi32, #tpu.memory_space<vmem>>
    %dma_start3A_38 = arith.constant 0 : i32
    %dma_start3A_39 = arith.constant 0 : i32
    %dma_start3A_40 = tpu.memref_slice %arg2[%dma_start3A_38, %dma_start3A_39] : memref<10000x128xf32, #tpu.memory_space<hbm>> -> memref<10000x128xf32, #tpu.memory_space<hbm>>
    tpu.enqueue_indirect_dma source(%dma_start3A_40 : memref<10000x128xf32, #tpu.memory_space<hbm>>) target(%arg10 : memref<104x128xf32, #tpu.memory_space<vmem>>) offsets(%dma_start3A_37 : memref<104xi32, #tpu.memory_space<vmem>>) semaphore(%arg13 : memref<!tpu.dma_semaphore, #tpu.memory_space<semaphore_mem>>)
    %mul3A_41 = arith.constant 632 : i32
    %mul3A_42 = arith.muli %arg1, %mul3A_41 : i32
    %dma_wait3A_43 = arith.constant 0 : i32
    %dma_wait3A_44 = tpu.memref_slice %arg11[%mul3A_42, %dma_wait3A_43] : memref<10112x128xf32, #tpu.memory_space<vmem_shared>> -> memref<632x128xf32, #tpu.memory_space<vmem_shared>>
    tpu.wait_dma2 semaphore(%arg14 : memref<!tpu.dma_semaphore, #tpu.memory_space<semaphore_mem>>) src(%arg5 : memref<632x128xf32, #tpu.memory_space<hbm>>) dst(%dma_wait3A_44 : memref<632x128xf32, #tpu.memory_space<vmem_shared>>)
    %barrier3A = arith.constant 0 : index
    tpu.barrier barrier_id(%barrier3A)
    %scan3A = arith.constant 0 : i32
    %scan3A_45 = arith.constant 0 : i32
    %scan3A_46 = arith.constant 47 : i32
    %scan3A_47 = arith.addi %scan3A_45, %scan3A_46 : i32
    %scan3A_48 = arith.constant 1 : i32
    scf.for %scan3A_80 = %scan3A_45 to %scan3A_47 step %scan3A_48  : i32 {
      %mul3A_81 = arith.constant 2 : i32
      %mul3A_82 = arith.muli %mul3A_81, %scan3A_80 : i32
      %dma_wait3A_83 = arith.constant 0 : i32
      %dma_wait3A_84 = arith.constant 0 : i32
      %dma_wait3A_85 = tpu.memref_slice %arg2[%dma_wait3A_83, %dma_wait3A_84] : memref<10000x128xf32, #tpu.memory_space<hbm>> -> memref<104x128xf32, #tpu.memory_space<hbm>>
      %dma_wait3A_86 = arith.constant 0 : i32
      %dma_wait3A_87 = arith.constant 0 : i32
      %dma_wait3A_88 = tpu.memref_slice %arg2[%dma_wait3A_86, %dma_wait3A_87] : memref<10000x128xf32, #tpu.memory_space<hbm>> -> memref<104x128xf32, #tpu.memory_space<hbm>>
      tpu.wait_dma2 semaphore(%arg12 : memref<!tpu.dma_semaphore, #tpu.memory_space<semaphore_mem>>) src(%dma_wait3A_88 : memref<104x128xf32, #tpu.memory_space<hbm>>) dst(%arg9 : memref<104x128xf32, #tpu.memory_space<vmem>>)
      "tpu.region"() ({
        %run_scoped3A_113 = tpu.sem_alloc : memref<!tpu.dma_semaphore, #tpu.memory_space<semaphore_mem>>
        %dma_start3A_114 = arith.constant 0 : i32
        %dma_start3A_115 = tpu.memref_slice %arg8[%mul3A_82, %dma_start3A_114] : memref<97x104xi32, #tpu.memory_space<vmem>> -> memref<1x104xi32, #tpu.memory_space<vmem>>
        %dma_start3A_116 = tpu.memref_squeeze %dma_start3A_115 : memref<1x104xi32, #tpu.memory_space<vmem>> -> memref<104xi32, #tpu.memory_space<vmem>>
        %dma_start3A_117 = arith.constant 0 : i32
        %dma_start3A_118 = arith.constant 0 : i32
        %dma_start3A_119 = tpu.memref_slice %arg11[%dma_start3A_117, %dma_start3A_118] : memref<10112x128xf32, #tpu.memory_space<vmem_shared>> -> memref<10112x128xf32, #tpu.memory_space<vmem_shared>>
        tpu.enqueue_indirect_dma source(%arg9 : memref<104x128xf32, #tpu.memory_space<vmem>>) target(%dma_start3A_119 : memref<10112x128xf32, #tpu.memory_space<vmem_shared>>) offsets(%dma_start3A_116 : memref<104xi32, #tpu.memory_space<vmem>>) semaphore(%run_scoped3A_113 : memref<!tpu.dma_semaphore, #tpu.memory_space<semaphore_mem>>) {add = true}
        %dma_wait3A_120 = arith.constant 0 : i32
        %dma_wait3A_121 = tpu.memref_slice %arg8[%mul3A_82, %dma_wait3A_120] : memref<97x104xi32, #tpu.memory_space<vmem>> -> memref<1x104xi32, #tpu.memory_space<vmem>>
        %dma_wait3A_122 = tpu.memref_squeeze %dma_wait3A_121 : memref<1x104xi32, #tpu.memory_space<vmem>> -> memref<104xi32, #tpu.memory_space<vmem>>
        %dma_wait3A_123 = arith.constant 0 : i32
        %dma_wait3A_124 = arith.constant 0 : i32
        %dma_wait3A_125 = tpu.memref_slice %arg11[%dma_wait3A_123, %dma_wait3A_124] : memref<10112x128xf32, #tpu.memory_space<vmem_shared>> -> memref<10112x128xf32, #tpu.memory_space<vmem_shared>>
        tpu.wait_indirect_dma semaphore(%run_scoped3A_113 : memref<!tpu.dma_semaphore, #tpu.memory_space<semaphore_mem>>) src(%arg9 : memref<104x128xf32, #tpu.memory_space<vmem>>) dst(%dma_wait3A_125 : memref<10112x128xf32, #tpu.memory_space<vmem_shared>>)
        tpu.yield
      }) : () -> ()
      %add3A_89 = arith.constant 2 : i32
      %add3A_90 = arith.addi %mul3A_82, %add3A_89 : i32
      %mul3A_91 = arith.constant 104 : i32
      %mul3A_92 = arith.muli %add3A_90, %mul3A_91 : i32
      %dma_start3A_93 = tpu.memref_slice %arg7[%mul3A_92] : memref<10088xi32, #tpu.memory_space<vmem>> -> memref<104xi32, #tpu.memory_space<vmem>>
      %dma_start3A_94 = arith.constant 0 : i32
      %dma_start3A_95 = arith.constant 0 : i32
      %dma_start3A_96 = tpu.memref_slice %arg2[%dma_start3A_94, %dma_start3A_95] : memref<10000x128xf32, #tpu.memory_space<hbm>> -> memref<10000x128xf32, #tpu.memory_space<hbm>>
      tpu.enqueue_indirect_dma source(%dma_start3A_96 : memref<10000x128xf32, #tpu.memory_space<hbm>>) target(%arg9 : memref<104x128xf32, #tpu.memory_space<vmem>>) offsets(%dma_start3A_93 : memref<104xi32, #tpu.memory_space<vmem>>) semaphore(%arg12 : memref<!tpu.dma_semaphore, #tpu.memory_space<semaphore_mem>>)
      %dma_wait3A_97 = arith.constant 0 : i32
      %dma_wait3A_98 = arith.constant 0 : i32
      %dma_wait3A_99 = tpu.memref_slice %arg2[%dma_wait3A_97, %dma_wait3A_98] : memref<10000x128xf32, #tpu.memory_space<hbm>> -> memref<104x128xf32, #tpu.memory_space<hbm>>
      %dma_wait3A_100 = arith.constant 0 : i32
      %dma_wait3A_101 = arith.constant 0 : i32
      %dma_wait3A_102 = tpu.memref_slice %arg2[%dma_wait3A_100, %dma_wait3A_101] : memref<10000x128xf32, #tpu.memory_space<hbm>> -> memref<104x128xf32, #tpu.memory_space<hbm>>
      tpu.wait_dma2 semaphore(%arg13 : memref<!tpu.dma_semaphore, #tpu.memory_space<semaphore_mem>>) src(%dma_wait3A_102 : memref<104x128xf32, #tpu.memory_space<hbm>>) dst(%arg10 : memref<104x128xf32, #tpu.memory_space<vmem>>)
      %add3A_103 = arith.constant 1 : i32
      %add3A_104 = arith.addi %mul3A_82, %add3A_103 : i32
      "tpu.region"() ({
        %run_scoped3A_113 = tpu.sem_alloc : memref<!tpu.dma_semaphore, #tpu.memory_space<semaphore_mem>>
        %dma_start3A_114 = arith.constant 0 : i32
        %dma_start3A_115 = tpu.memref_slice %arg8[%add3A_104, %dma_start3A_114] : memref<97x104xi32, #tpu.memory_space<vmem>> -> memref<1x104xi32, #tpu.memory_space<vmem>>
        %dma_start3A_116 = tpu.memref_squeeze %dma_start3A_115 : memref<1x104xi32, #tpu.memory_space<vmem>> -> memref<104xi32, #tpu.memory_space<vmem>>
        %dma_start3A_117 = arith.constant 0 : i32
        %dma_start3A_118 = arith.constant 0 : i32
        %dma_start3A_119 = tpu.memref_slice %arg11[%dma_start3A_117, %dma_start3A_118] : memref<10112x128xf32, #tpu.memory_space<vmem_shared>> -> memref<10112x128xf32, #tpu.memory_space<vmem_shared>>
        tpu.enqueue_indirect_dma source(%arg10 : memref<104x128xf32, #tpu.memory_space<vmem>>) target(%dma_start3A_119 : memref<10112x128xf32, #tpu.memory_space<vmem_shared>>) offsets(%dma_start3A_116 : memref<104xi32, #tpu.memory_space<vmem>>) semaphore(%run_scoped3A_113 : memref<!tpu.dma_semaphore, #tpu.memory_space<semaphore_mem>>) {add = true}
        %dma_wait3A_120 = arith.constant 0 : i32
        %dma_wait3A_121 = tpu.memref_slice %arg8[%add3A_104, %dma_wait3A_120] : memref<97x104xi32, #tpu.memory_space<vmem>> -> memref<1x104xi32, #tpu.memory_space<vmem>>
        %dma_wait3A_122 = tpu.memref_squeeze %dma_wait3A_121 : memref<1x104xi32, #tpu.memory_space<vmem>> -> memref<104xi32, #tpu.memory_space<vmem>>
        %dma_wait3A_123 = arith.constant 0 : i32
        %dma_wait3A_124 = arith.constant 0 : i32
        %dma_wait3A_125 = tpu.memref_slice %arg11[%dma_wait3A_123, %dma_wait3A_124] : memref<10112x128xf32, #tpu.memory_space<vmem_shared>> -> memref<10112x128xf32, #tpu.memory_space<vmem_shared>>
        tpu.wait_indirect_dma semaphore(%run_scoped3A_113 : memref<!tpu.dma_semaphore, #tpu.memory_space<semaphore_mem>>) src(%arg10 : memref<104x128xf32, #tpu.memory_space<vmem>>) dst(%dma_wait3A_125 : memref<10112x128xf32, #tpu.memory_space<vmem_shared>>)
        tpu.yield
      }) : () -> ()
      %add3A_105 = arith.constant 3 : i32
      %add3A_106 = arith.addi %mul3A_82, %add3A_105 : i32
      %mul3A_107 = arith.constant 104 : i32
      %mul3A_108 = arith.muli %add3A_106, %mul3A_107 : i32
      %dma_start3A_109 = tpu.memref_slice %arg7[%mul3A_108] : memref<10088xi32, #tpu.memory_space<vmem>> -> memref<104xi32, #tpu.memory_space<vmem>>
      %dma_start3A_110 = arith.constant 0 : i32
      %dma_start3A_111 = arith.constant 0 : i32
      %dma_start3A_112 = tpu.memref_slice %arg2[%dma_start3A_110, %dma_start3A_111] : memref<10000x128xf32, #tpu.memory_space<hbm>> -> memref<10000x128xf32, #tpu.memory_space<hbm>>
      tpu.enqueue_indirect_dma source(%dma_start3A_112 : memref<10000x128xf32, #tpu.memory_space<hbm>>) target(%arg10 : memref<104x128xf32, #tpu.memory_space<vmem>>) offsets(%dma_start3A_109 : memref<104xi32, #tpu.memory_space<vmem>>) semaphore(%arg13 : memref<!tpu.dma_semaphore, #tpu.memory_space<semaphore_mem>>)
    }
    %scan3A_49 = arith.constant 47 : i32
    %dma_wait3A_50 = arith.constant 0 : i32
    %dma_wait3A_51 = arith.constant 0 : i32
    %dma_wait3A_52 = tpu.memref_slice %arg2[%dma_wait3A_50, %dma_wait3A_51] : memref<10000x128xf32, #tpu.memory_space<hbm>> -> memref<104x128xf32, #tpu.memory_space<hbm>>
    %dma_wait3A_53 = arith.constant 0 : i32
    %dma_wait3A_54 = arith.constant 0 : i32
    %dma_wait3A_55 = tpu.memref_slice %arg2[%dma_wait3A_53, %dma_wait3A_54] : memref<10000x128xf32, #tpu.memory_space<hbm>> -> memref<104x128xf32, #tpu.memory_space<hbm>>
    tpu.wait_dma2 semaphore(%arg12 : memref<!tpu.dma_semaphore, #tpu.memory_space<semaphore_mem>>) src(%dma_wait3A_55 : memref<104x128xf32, #tpu.memory_space<hbm>>) dst(%arg9 : memref<104x128xf32, #tpu.memory_space<vmem>>)
    %run_scoped3A = arith.constant 94 : i32
    "tpu.region"() ({
      %run_scoped3A_80 = tpu.sem_alloc : memref<!tpu.dma_semaphore, #tpu.memory_space<semaphore_mem>>
      %dma_start3A_81 = arith.constant 0 : i32
      %dma_start3A_82 = tpu.memref_slice %arg8[%run_scoped3A, %dma_start3A_81] : memref<97x104xi32, #tpu.memory_space<vmem>> -> memref<1x104xi32, #tpu.memory_space<vmem>>
      %dma_start3A_83 = tpu.memref_squeeze %dma_start3A_82 : memref<1x104xi32, #tpu.memory_space<vmem>> -> memref<104xi32, #tpu.memory_space<vmem>>
      %dma_start3A_84 = arith.constant 0 : i32
      %dma_start3A_85 = arith.constant 0 : i32
      %dma_start3A_86 = tpu.memref_slice %arg11[%dma_start3A_84, %dma_start3A_85] : memref<10112x128xf32, #tpu.memory_space<vmem_shared>> -> memref<10112x128xf32, #tpu.memory_space<vmem_shared>>
      tpu.enqueue_indirect_dma source(%arg9 : memref<104x128xf32, #tpu.memory_space<vmem>>) target(%dma_start3A_86 : memref<10112x128xf32, #tpu.memory_space<vmem_shared>>) offsets(%dma_start3A_83 : memref<104xi32, #tpu.memory_space<vmem>>) semaphore(%run_scoped3A_80 : memref<!tpu.dma_semaphore, #tpu.memory_space<semaphore_mem>>) {add = true}
      %dma_wait3A_87 = arith.constant 0 : i32
      %dma_wait3A_88 = tpu.memref_slice %arg8[%run_scoped3A, %dma_wait3A_87] : memref<97x104xi32, #tpu.memory_space<vmem>> -> memref<1x104xi32, #tpu.memory_space<vmem>>
      %dma_wait3A_89 = tpu.memref_squeeze %dma_wait3A_88 : memref<1x104xi32, #tpu.memory_space<vmem>> -> memref<104xi32, #tpu.memory_space<vmem>>
      %dma_wait3A_90 = arith.constant 0 : i32
      %dma_wait3A_91 = arith.constant 0 : i32
      %dma_wait3A_92 = tpu.memref_slice %arg11[%dma_wait3A_90, %dma_wait3A_91] : memref<10112x128xf32, #tpu.memory_space<vmem_shared>> -> memref<10112x128xf32, #tpu.memory_space<vmem_shared>>
      tpu.wait_indirect_dma semaphore(%run_scoped3A_80 : memref<!tpu.dma_semaphore, #tpu.memory_space<semaphore_mem>>) src(%arg9 : memref<104x128xf32, #tpu.memory_space<vmem>>) dst(%dma_wait3A_92 : memref<10112x128xf32, #tpu.memory_space<vmem_shared>>)
      tpu.yield
    }) : () -> ()
    %dma_start3A_56 = arith.constant 9984 : i32
    %dma_start3A_57 = tpu.memref_slice %arg7[%dma_start3A_56] : memref<10088xi32, #tpu.memory_space<vmem>> -> memref<104xi32, #tpu.memory_space<vmem>>
    %dma_start3A_58 = arith.constant 0 : i32
    %dma_start3A_59 = arith.constant 0 : i32
    %dma_start3A_60 = tpu.memref_slice %arg2[%dma_start3A_58, %dma_start3A_59] : memref<10000x128xf32, #tpu.memory_space<hbm>> -> memref<10000x128xf32, #tpu.memory_space<hbm>>
    tpu.enqueue_indirect_dma source(%dma_start3A_60 : memref<10000x128xf32, #tpu.memory_space<hbm>>) target(%arg9 : memref<104x128xf32, #tpu.memory_space<vmem>>) offsets(%dma_start3A_57 : memref<104xi32, #tpu.memory_space<vmem>>) semaphore(%arg12 : memref<!tpu.dma_semaphore, #tpu.memory_space<semaphore_mem>>)
    %dma_wait3A_61 = arith.constant 0 : i32
    %dma_wait3A_62 = arith.constant 0 : i32
    %dma_wait3A_63 = tpu.memref_slice %arg2[%dma_wait3A_61, %dma_wait3A_62] : memref<10000x128xf32, #tpu.memory_space<hbm>> -> memref<104x128xf32, #tpu.memory_space<hbm>>
    %dma_wait3A_64 = arith.constant 0 : i32
    %dma_wait3A_65 = arith.constant 0 : i32
    %dma_wait3A_66 = tpu.memref_slice %arg2[%dma_wait3A_64, %dma_wait3A_65] : memref<10000x128xf32, #tpu.memory_space<hbm>> -> memref<104x128xf32, #tpu.memory_space<hbm>>
    tpu.wait_dma2 semaphore(%arg13 : memref<!tpu.dma_semaphore, #tpu.memory_space<semaphore_mem>>) src(%dma_wait3A_66 : memref<104x128xf32, #tpu.memory_space<hbm>>) dst(%arg10 : memref<104x128xf32, #tpu.memory_space<vmem>>)
    %run_scoped3A_67 = arith.constant 95 : i32
    "tpu.region"() ({
      %run_scoped3A_80 = tpu.sem_alloc : memref<!tpu.dma_semaphore, #tpu.memory_space<semaphore_mem>>
      %dma_start3A_81 = arith.constant 0 : i32
      %dma_start3A_82 = tpu.memref_slice %arg8[%run_scoped3A_67, %dma_start3A_81] : memref<97x104xi32, #tpu.memory_space<vmem>> -> memref<1x104xi32, #tpu.memory_space<vmem>>
      %dma_start3A_83 = tpu.memref_squeeze %dma_start3A_82 : memref<1x104xi32, #tpu.memory_space<vmem>> -> memref<104xi32, #tpu.memory_space<vmem>>
      %dma_start3A_84 = arith.constant 0 : i32
      %dma_start3A_85 = arith.constant 0 : i32
      %dma_start3A_86 = tpu.memref_slice %arg11[%dma_start3A_84, %dma_start3A_85] : memref<10112x128xf32, #tpu.memory_space<vmem_shared>> -> memref<10112x128xf32, #tpu.memory_space<vmem_shared>>
      tpu.enqueue_indirect_dma source(%arg10 : memref<104x128xf32, #tpu.memory_space<vmem>>) target(%dma_start3A_86 : memref<10112x128xf32, #tpu.memory_space<vmem_shared>>) offsets(%dma_start3A_83 : memref<104xi32, #tpu.memory_space<vmem>>) semaphore(%run_scoped3A_80 : memref<!tpu.dma_semaphore, #tpu.memory_space<semaphore_mem>>) {add = true}
      %dma_wait3A_87 = arith.constant 0 : i32
      %dma_wait3A_88 = tpu.memref_slice %arg8[%run_scoped3A_67, %dma_wait3A_87] : memref<97x104xi32, #tpu.memory_space<vmem>> -> memref<1x104xi32, #tpu.memory_space<vmem>>
      %dma_wait3A_89 = tpu.memref_squeeze %dma_wait3A_88 : memref<1x104xi32, #tpu.memory_space<vmem>> -> memref<104xi32, #tpu.memory_space<vmem>>
      %dma_wait3A_90 = arith.constant 0 : i32
      %dma_wait3A_91 = arith.constant 0 : i32
      %dma_wait3A_92 = tpu.memref_slice %arg11[%dma_wait3A_90, %dma_wait3A_91] : memref<10112x128xf32, #tpu.memory_space<vmem_shared>> -> memref<10112x128xf32, #tpu.memory_space<vmem_shared>>
      tpu.wait_indirect_dma semaphore(%run_scoped3A_80 : memref<!tpu.dma_semaphore, #tpu.memory_space<semaphore_mem>>) src(%arg10 : memref<104x128xf32, #tpu.memory_space<vmem>>) dst(%dma_wait3A_92 : memref<10112x128xf32, #tpu.memory_space<vmem_shared>>)
      tpu.yield
    }) : () -> ()
    %dma_wait3A_68 = arith.constant 0 : i32
    %dma_wait3A_69 = arith.constant 0 : i32
    %dma_wait3A_70 = tpu.memref_slice %arg2[%dma_wait3A_68, %dma_wait3A_69] : memref<10000x128xf32, #tpu.memory_space<hbm>> -> memref<104x128xf32, #tpu.memory_space<hbm>>
    %dma_wait3A_71 = arith.constant 0 : i32
    %dma_wait3A_72 = arith.constant 0 : i32
    %dma_wait3A_73 = tpu.memref_slice %arg2[%dma_wait3A_71, %dma_wait3A_72] : memref<10000x128xf32, #tpu.memory_space<hbm>> -> memref<104x128xf32, #tpu.memory_space<hbm>>
    tpu.wait_dma2 semaphore(%arg12 : memref<!tpu.dma_semaphore, #tpu.memory_space<semaphore_mem>>) src(%dma_wait3A_73 : memref<104x128xf32, #tpu.memory_space<hbm>>) dst(%arg9 : memref<104x128xf32, #tpu.memory_space<vmem>>)
    %run_scoped3A_74 = arith.constant 96 : i32
    "tpu.region"() ({
      %run_scoped3A_80 = tpu.sem_alloc : memref<!tpu.dma_semaphore, #tpu.memory_space<semaphore_mem>>
      %dma_start3A_81 = arith.constant 0 : i32
      %dma_start3A_82 = tpu.memref_slice %arg8[%run_scoped3A_74, %dma_start3A_81] : memref<97x104xi32, #tpu.memory_space<vmem>> -> memref<1x104xi32, #tpu.memory_space<vmem>>
      %dma_start3A_83 = tpu.memref_squeeze %dma_start3A_82 : memref<1x104xi32, #tpu.memory_space<vmem>> -> memref<104xi32, #tpu.memory_space<vmem>>
      %dma_start3A_84 = arith.constant 0 : i32
      %dma_start3A_85 = arith.constant 0 : i32
      %dma_start3A_86 = tpu.memref_slice %arg11[%dma_start3A_84, %dma_start3A_85] : memref<10112x128xf32, #tpu.memory_space<vmem_shared>> -> memref<10112x128xf32, #tpu.memory_space<vmem_shared>>
      tpu.enqueue_indirect_dma source(%arg9 : memref<104x128xf32, #tpu.memory_space<vmem>>) target(%dma_start3A_86 : memref<10112x128xf32, #tpu.memory_space<vmem_shared>>) offsets(%dma_start3A_83 : memref<104xi32, #tpu.memory_space<vmem>>) semaphore(%run_scoped3A_80 : memref<!tpu.dma_semaphore, #tpu.memory_space<semaphore_mem>>) {add = true}
      %dma_wait3A_87 = arith.constant 0 : i32
      %dma_wait3A_88 = tpu.memref_slice %arg8[%run_scoped3A_74, %dma_wait3A_87] : memref<97x104xi32, #tpu.memory_space<vmem>> -> memref<1x104xi32, #tpu.memory_space<vmem>>
      %dma_wait3A_89 = tpu.memref_squeeze %dma_wait3A_88 : memref<1x104xi32, #tpu.memory_space<vmem>> -> memref<104xi32, #tpu.memory_space<vmem>>
      %dma_wait3A_90 = arith.constant 0 : i32
      %dma_wait3A_91 = arith.constant 0 : i32
      %dma_wait3A_92 = tpu.memref_slice %arg11[%dma_wait3A_90, %dma_wait3A_91] : memref<10112x128xf32, #tpu.memory_space<vmem_shared>> -> memref<10112x128xf32, #tpu.memory_space<vmem_shared>>
      tpu.wait_indirect_dma semaphore(%run_scoped3A_80 : memref<!tpu.dma_semaphore, #tpu.memory_space<semaphore_mem>>) src(%arg9 : memref<104x128xf32, #tpu.memory_space<vmem>>) dst(%dma_wait3A_92 : memref<10112x128xf32, #tpu.memory_space<vmem_shared>>)
      tpu.yield
    }) : () -> ()
    %barrier3A_75 = arith.constant 0 : index
    tpu.barrier barrier_id(%barrier3A_75)
    %mul3A_76 = arith.constant 632 : i32
    %mul3A_77 = arith.muli %arg1, %mul3A_76 : i32
    %mul3A_78 = arith.constant 632 : i32
    %mul3A_79 = arith.muli %arg1, %mul3A_78 : i32
    "tpu.region"() ({
      %run_scoped3A_80 = tpu.sem_alloc : memref<!tpu.dma_semaphore, #tpu.memory_space<semaphore_mem>>
      %dma_start3A_81 = arith.constant 0 : i32
      %dma_start3A_82 = tpu.memref_slice %arg6[%arg0, %mul3A_79, %dma_start3A_81] : memref<2x10112x128xf32, #tpu.memory_space<hbm>> -> memref<1x632x128xf32, #tpu.memory_space<hbm>>
      %dma_start3A_83 = tpu.memref_squeeze %dma_start3A_82 : memref<1x632x128xf32, #tpu.memory_space<hbm>> -> memref<632x128xf32, #tpu.memory_space<hbm>>
      %dma_start3A_84 = arith.constant 0 : i32
      %dma_start3A_85 = tpu.memref_slice %arg11[%mul3A_77, %dma_start3A_84] : memref<10112x128xf32, #tpu.memory_space<vmem_shared>> -> memref<632x128xf32, #tpu.memory_space<vmem_shared>>
      tpu.enqueue_dma source(%dma_start3A_85 : memref<632x128xf32, #tpu.memory_space<vmem_shared>>) target(%dma_start3A_83 : memref<632x128xf32, #tpu.memory_space<hbm>>) target_semaphore(%run_scoped3A_80 : memref<!tpu.dma_semaphore, #tpu.memory_space<semaphore_mem>>)
      %dma_wait3A_86 = arith.constant 0 : i32
      %dma_wait3A_87 = tpu.memref_slice %arg6[%arg0, %mul3A_79, %dma_wait3A_86] : memref<2x10112x128xf32, #tpu.memory_space<hbm>> -> memref<1x632x128xf32, #tpu.memory_space<hbm>>
      %dma_wait3A_88 = tpu.memref_squeeze %dma_wait3A_87 : memref<1x632x128xf32, #tpu.memory_space<hbm>> -> memref<632x128xf32, #tpu.memory_space<hbm>>
      %dma_wait3A_89 = arith.constant 0 : i32
      %dma_wait3A_90 = tpu.memref_slice %arg11[%mul3A_77, %dma_wait3A_89] : memref<10112x128xf32, #tpu.memory_space<vmem_shared>> -> memref<632x128xf32, #tpu.memory_space<vmem_shared>>
      tpu.wait_dma2 semaphore(%run_scoped3A_80 : memref<!tpu.dma_semaphore, #tpu.memory_space<semaphore_mem>>) src(%dma_wait3A_90 : memref<632x128xf32, #tpu.memory_space<vmem_shared>>) dst(%dma_wait3A_88 : memref<632x128xf32, #tpu.memory_space<hbm>>)
      tpu.yield
    }) : () -> ()
    return
  }
}

module attributes {stable_mosaic.version = 14 : i64} {
  func.func @_tc_head_body(%arg0: i32, %arg1: memref<2x10000x128xf32, #tpu.memory_space<vmem>>, %arg2: memref<128x128xf32, #tpu.memory_space<vmem>>, %arg3: memref<1x128xf32, #tpu.memory_space<vmem>>, %arg4: memref<1x10000xi32, #tpu.memory_space<vmem>>, %arg5: memref<128x128xf32, #tpu.memory_space<vmem>>, %arg6: memref<1x128xf32, #tpu.memory_space<vmem>>, %arg7: memref<64x128xf32, #tpu.memory_space<vmem>>) attributes {dimension_semantics = [#tpu.dimension_semantics<arbitrary>], iteration_bounds = array<i64: 1>, scalar_prefetch = 0 : i64, scratch_operands = 0 : i64, tpu.core_type = #tpu.core_type<tc>, window_params = [{transform_indices = @transform_0, window_bounds = array<i64: 2, 10000, 128>}, {pipeline_mode = #tpu.pipeline_mode<synchronous>, transform_indices = @transform_1, window_bounds = array<i64: 128, 128>}, {pipeline_mode = #tpu.pipeline_mode<synchronous>, transform_indices = @transform_2, window_bounds = array<i64: 1, 128>}, {pipeline_mode = #tpu.pipeline_mode<synchronous>, transform_indices = @transform_3, window_bounds = array<i64: 1, 10000>}, {pipeline_mode = #tpu.pipeline_mode<synchronous>, transform_indices = @transform_4, window_bounds = array<i64: 128, 128>}, {pipeline_mode = #tpu.pipeline_mode<synchronous>, transform_indices = @transform_5, window_bounds = array<i64: 1, 128>}, {pipeline_mode = #tpu.pipeline_mode<synchronous>, transform_indices = @transform_6, window_bounds = array<i64: 64, 128>}]} {
    %get3A = arith.constant 0 : index
    %get3A_0 = arith.constant 0 : index
    %get3A_1 = arith.constant 0 : index
    %get3A_2 = vector.load %arg1[%get3A, %get3A_0, %get3A_1] : memref<2x10000x128xf32, #tpu.memory_space<vmem>>, vector<1x10000x128xf32>
    %get3A_3 = vector.shape_cast %get3A_2 : vector<1x10000x128xf32> to vector<10000x128xf32>
    %get3A_4 = arith.constant 1 : index
    %get3A_5 = arith.constant 0 : index
    %get3A_6 = arith.constant 0 : index
    %get3A_7 = vector.load %arg1[%get3A_4, %get3A_5, %get3A_6] : memref<2x10000x128xf32, #tpu.memory_space<vmem>>, vector<1x10000x128xf32>
    %get3A_8 = vector.shape_cast %get3A_7 : vector<1x10000x128xf32> to vector<10000x128xf32>
    %add3A = arith.addf %get3A_3, %get3A_8 : vector<10000x128xf32>
    %get3A_9 = arith.constant 0 : index
    %get3A_10 = arith.constant 0 : index
    %get3A_11 = vector.load %arg2[%get3A_9, %get3A_10] : memref<128x128xf32, #tpu.memory_space<vmem>>, vector<128x128xf32>
    %dot_general3A = arith.constant dense<0.000000e+00> : vector<10000x128xf32>
    %dot_general3A_12 = tpu.matmul %add3A, %get3A_11, %dot_general3A {dimension_numbers = #tpu.dot_dimension_numbers<[1], [0], [0], [1], [0, 0, 1, 1], [], []>, precision = #tpu.contract_precision<fp32>, transpose_lhs_hint = false} : vector<10000x128xf32>, vector<128x128xf32>, vector<10000x128xf32> -> vector<10000x128xf32>
    %get3A_13 = arith.constant 0 : index
    %get3A_14 = arith.constant 0 : index
    %get3A_15 = vector.load %arg3[%get3A_13, %get3A_14] : memref<1x128xf32, #tpu.memory_space<vmem>>, vector<1x128xf32>
    %add3A_16 = vector.broadcast %get3A_15 : vector<1x128xf32> to vector<10000x128xf32>
    %add3A_17 = arith.addf %dot_general3A_12, %add3A_16 : vector<10000x128xf32>
    %max3A = arith.constant 0.000000e+00 : f32
    %max3A_18 = vector.broadcast %max3A : f32 to vector<10000x128xf32>
    %max3A_19 = arith.maximumf %add3A_17, %max3A_18 : vector<10000x128xf32>
    %iota3A = tpu.iota {dimensions = array<i32: 0>} : vector<64x10000xi32>
    %get3A_20 = arith.constant 0 : index
    %get3A_21 = arith.constant 0 : index
    %get3A_22 = vector.load %arg4[%get3A_20, %get3A_21] : memref<1x10000xi32, #tpu.memory_space<vmem>>, vector<1x10000xi32>
    %eq3A = vector.broadcast %get3A_22 : vector<1x10000xi32> to vector<64x10000xi32>
    %eq3A_23 = arith.cmpi eq, %eq3A, %iota3A : vector<64x10000xi32>
    %convert_element_type3A = arith.extui %eq3A_23 : vector<64x10000xi1> to vector<64x10000xi32>
    %convert_element_type3A_24 = arith.sitofp %convert_element_type3A : vector<64x10000xi32> to vector<64x10000xf32>
    %reduce_sum3A = arith.constant dense<0.000000e+00> : vector<64xf32>
    %reduce_sum3A_25 = vector.multi_reduction <add>, %convert_element_type3A_24, %reduce_sum3A [1] : vector<64x10000xf32> to vector<64xf32>
    %broadcast_in_dim3A = vector.shape_cast %reduce_sum3A_25 : vector<64xf32> to vector<64x1xf32>
    %dot_general3A_26 = arith.constant dense<0.000000e+00> : vector<64x128xf32>
    %dot_general3A_27 = tpu.matmul %convert_element_type3A_24, %max3A_19, %dot_general3A_26 {dimension_numbers = #tpu.dot_dimension_numbers<[1], [0], [0], [1], [0, 0, 1, 1], [], []>, precision = #tpu.contract_precision<fp32>, transpose_lhs_hint = false} : vector<64x10000xf32>, vector<10000x128xf32>, vector<64x128xf32> -> vector<64x128xf32>
    %max3A_28 = arith.constant 1.000000e+00 : f32
    %max3A_29 = vector.broadcast %max3A_28 : f32 to vector<64x1xf32>
    %max3A_30 = arith.maximumf %broadcast_in_dim3A, %max3A_29 : vector<64x1xf32>
    %div3A = vector.broadcast %max3A_30 : vector<64x1xf32> to vector<64x128xf32>
    %div3A_31 = arith.divf %dot_general3A_27, %div3A : vector<64x128xf32>
    %get3A_32 = arith.constant 0 : index
    %get3A_33 = arith.constant 0 : index
    %get3A_34 = vector.load %arg5[%get3A_32, %get3A_33] : memref<128x128xf32, #tpu.memory_space<vmem>>, vector<128x128xf32>
    %dot_general3A_35 = arith.constant dense<0.000000e+00> : vector<64x128xf32>
    %dot_general3A_36 = tpu.matmul %div3A_31, %get3A_34, %dot_general3A_35 {dimension_numbers = #tpu.dot_dimension_numbers<[1], [0], [0], [1], [0, 0, 1, 1], [], []>, precision = #tpu.contract_precision<fp32>, transpose_lhs_hint = false} : vector<64x128xf32>, vector<128x128xf32>, vector<64x128xf32> -> vector<64x128xf32>
    %get3A_37 = arith.constant 0 : index
    %get3A_38 = arith.constant 0 : index
    %get3A_39 = vector.load %arg6[%get3A_37, %get3A_38] : memref<1x128xf32, #tpu.memory_space<vmem>>, vector<1x128xf32>
    %add3A_40 = vector.broadcast %get3A_39 : vector<1x128xf32> to vector<64x128xf32>
    %add3A_41 = arith.addf %dot_general3A_36, %add3A_40 : vector<64x128xf32>
    %swap3A = arith.constant 0 : index
    %swap3A_42 = arith.constant 0 : index
    %swap3A_43 = vector.load %arg7[%swap3A, %swap3A_42] : memref<64x128xf32, #tpu.memory_space<vmem>>, vector<64x128xf32>
    tpu.vector_store %arg7[%swap3A, %swap3A_42], %add3A_41 {strides = array<i32>} : memref<64x128xf32, #tpu.memory_space<vmem>>, vector<64x128xf32>,
    return
  }
  func.func @transform_0(%arg0: i32) -> (i32, i32, i32) {
    %c0_i32 = arith.constant 0 : i32
    %c0_i32_0 = arith.constant 0 : i32
    %c0_i32_1 = arith.constant 0 : i32
    %c0_i32_2 = arith.constant 0 : i32
    return %c0_i32, %c0_i32_0, %c0_i32_1 : i32, i32, i32
  }
  func.func @transform_1(%arg0: i32) -> (i32, i32) {
    %c0_i32 = arith.constant 0 : i32
    %c0_i32_0 = arith.constant 0 : i32
    %c0_i32_1 = arith.constant 0 : i32
    return %c0_i32, %c0_i32_0 : i32, i32
  }
  func.func @transform_2(%arg0: i32) -> (i32, i32) {
    %c0_i32 = arith.constant 0 : i32
    %c0_i32_0 = arith.constant 0 : i32
    %c0_i32_1 = arith.constant 0 : i32
    return %c0_i32, %c0_i32_0 : i32, i32
  }
  func.func @transform_3(%arg0: i32) -> (i32, i32) {
    %c0_i32 = arith.constant 0 : i32
    %c0_i32_0 = arith.constant 0 : i32
    %c0_i32_1 = arith.constant 0 : i32
    return %c0_i32, %c0_i32_0 : i32, i32
  }
  func.func @transform_4(%arg0: i32) -> (i32, i32) {
    %c0_i32 = arith.constant 0 : i32
    %c0_i32_0 = arith.constant 0 : i32
    %c0_i32_1 = arith.constant 0 : i32
    return %c0_i32, %c0_i32_0 : i32, i32
  }
  func.func @transform_5(%arg0: i32) -> (i32, i32) {
    %c0_i32 = arith.constant 0 : i32
    %c0_i32_0 = arith.constant 0 : i32
    %c0_i32_1 = arith.constant 0 : i32
    return %c0_i32, %c0_i32_0 : i32, i32
  }
  func.func @transform_6(%arg0: i32) -> (i32, i32) {
    %c0_i32 = arith.constant 0 : i32
    %c0_i32_0 = arith.constant 0 : i32
    %c0_i32_1 = arith.constant 0 : i32
    return %c0_i32, %c0_i32_0 : i32, i32
  }
}

module attributes {stable_mosaic.version = 14 : i64} {
  func.func @_tc_layer_body(%arg0: i32, %arg1: memref<2x2000x128xf32, #tpu.memory_space<vmem>>, %arg2: memref<128x128xf32, #tpu.memory_space<vmem>>, %arg3: memref<1x128xf32, #tpu.memory_space<vmem>>, %arg4: memref<2000x128xf32, #tpu.memory_space<vmem>>) attributes {dimension_semantics = [#tpu.dimension_semantics<arbitrary>], iteration_bounds = array<i64: 5>, scalar_prefetch = 0 : i64, scratch_operands = 0 : i64, tpu.core_type = #tpu.core_type<tc>, window_params = [{transform_indices = @transform_0, window_bounds = array<i64: 2, 2000, 128>}, {pipeline_mode = #tpu.pipeline_mode<synchronous>, transform_indices = @transform_1, window_bounds = array<i64: 128, 128>}, {pipeline_mode = #tpu.pipeline_mode<synchronous>, transform_indices = @transform_2, window_bounds = array<i64: 1, 128>}, {transform_indices = @transform_3, window_bounds = array<i64: 2000, 128>}]} {
    %get3A = arith.constant 0 : index
    %get3A_0 = arith.constant 0 : index
    %get3A_1 = arith.constant 0 : index
    %get3A_2 = vector.load %arg1[%get3A, %get3A_0, %get3A_1] : memref<2x2000x128xf32, #tpu.memory_space<vmem>>, vector<1x2000x128xf32>
    %get3A_3 = vector.shape_cast %get3A_2 : vector<1x2000x128xf32> to vector<2000x128xf32>
    %get3A_4 = arith.constant 1 : index
    %get3A_5 = arith.constant 0 : index
    %get3A_6 = arith.constant 0 : index
    %get3A_7 = vector.load %arg1[%get3A_4, %get3A_5, %get3A_6] : memref<2x2000x128xf32, #tpu.memory_space<vmem>>, vector<1x2000x128xf32>
    %get3A_8 = vector.shape_cast %get3A_7 : vector<1x2000x128xf32> to vector<2000x128xf32>
    %add3A = arith.addf %get3A_3, %get3A_8 : vector<2000x128xf32>
    %get3A_9 = arith.constant 0 : index
    %get3A_10 = arith.constant 0 : index
    %get3A_11 = vector.load %arg2[%get3A_9, %get3A_10] : memref<128x128xf32, #tpu.memory_space<vmem>>, vector<128x128xf32>
    %dot_general3A = arith.constant dense<0.000000e+00> : vector<2000x128xf32>
    %dot_general3A_12 = tpu.matmul %add3A, %get3A_11, %dot_general3A {dimension_numbers = #tpu.dot_dimension_numbers<[1], [0], [0], [1], [0, 0, 1, 1], [], []>, precision = #tpu.contract_precision<fp32>, transpose_lhs_hint = false} : vector<2000x128xf32>, vector<128x128xf32>, vector<2000x128xf32> -> vector<2000x128xf32>
    %get3A_13 = arith.constant 0 : index
    %get3A_14 = arith.constant 0 : index
    %get3A_15 = vector.load %arg3[%get3A_13, %get3A_14] : memref<1x128xf32, #tpu.memory_space<vmem>>, vector<1x128xf32>
    %add3A_16 = vector.broadcast %get3A_15 : vector<1x128xf32> to vector<2000x128xf32>
    %add3A_17 = arith.addf %dot_general3A_12, %add3A_16 : vector<2000x128xf32>
    %max3A = arith.constant 0.000000e+00 : f32
    %max3A_18 = vector.broadcast %max3A : f32 to vector<2000x128xf32>
    %max3A_19 = arith.maximumf %add3A_17, %max3A_18 : vector<2000x128xf32>
    %swap3A = arith.constant 0 : index
    %swap3A_20 = arith.constant 0 : index
    %swap3A_21 = vector.load %arg4[%swap3A, %swap3A_20] : memref<2000x128xf32, #tpu.memory_space<vmem>>, vector<2000x128xf32>
    tpu.vector_store %arg4[%swap3A, %swap3A_20], %max3A_19 {strides = array<i32>} : memref<2000x128xf32, #tpu.memory_space<vmem>>, vector<2000x128xf32>,
    return
  }
  func.func @transform_0(%arg0: i32) -> (i32, i32, i32) {
    %c0_i32 = arith.constant 0 : i32
    %c0_i32_0 = arith.constant 0 : i32
    %c0_i32_1 = arith.constant 0 : i32
    return %c0_i32, %arg0, %c0_i32_0 : i32, i32, i32
  }
  func.func @transform_1(%arg0: i32) -> (i32, i32) {
    %c0_i32 = arith.constant 0 : i32
    %c0_i32_0 = arith.constant 0 : i32
    %c0_i32_1 = arith.constant 0 : i32
    return %c0_i32, %c0_i32_0 : i32, i32
  }
  func.func @transform_2(%arg0: i32) -> (i32, i32) {
    %c0_i32 = arith.constant 0 : i32
    %c0_i32_0 = arith.constant 0 : i32
    %c0_i32_1 = arith.constant 0 : i32
    return %c0_i32, %c0_i32_0 : i32, i32
  }
  func.func @transform_3(%arg0: i32) -> (i32, i32) {
    %c0_i32 = arith.constant 0 : i32
    %c0_i32_0 = arith.constant 0 : i32
    return %arg0, %c0_i32 : i32, i32
  }
}

</mosaic_0001>

<sc_bundles>
// kernel: kernel.11.cloned.1.call-start
scs
__scs_entry_jumppad:
0x0: {  	(pc) =	sbr.rel $0x88, $3  }
0x1: {  	(tag) =	ssettag $0x0;
	lr =	simm.s32 $0x1  }
0x2: {  	[smem:$0x3F96] =	sst lr;
	_ =	strace $0xD0000000  }
0x3: {  	_ = 	snop  }
0x4: {  	_ = 	snop  }
0x5: {  	_ = 	snop  }
0x6: {  	_ = 	snop  }
0x7: {  	_ = 	snop  }
__scs_overlays_trampoline_lowered:
0x8: {  	[smem:$0x3FA5] =	sst s0  }
0x9: {  	[smem:$0x3FA6] =	sst s1  }
0xa: {  	[smem:$0x3FA7] =	sst s2  }
0xb: {  	[smem:$0x3FA8] =	sst s3  }
0xc: {  	[smem:$0x3FA9] =	sst s4  }
0xd: {  	[smem:$0x3FAA] =	sst s5  }
0xe: {  	[smem:$0x3FAB] =	sst s6  }
0xf: {  	[smem:$0x3FAC] =	sst s7  }
0x10: {  	[smem:$0x3FAD] =	sst s8  }
0x11: {  	[smem:$0x3FAE] =	sst s9;
	s0 =	simm.s32 @!p0 $0x0  }
0x12: {  	s1 =	sld [smem:$0x3F94];
	s0 =	simm.s32 @p0 $0x1  }
0x13: {  	[smem:$0x3FAF] =	sst s0;
	s0 =	simm.s32 @!p1 $0x0  }
0x14: {  	s2 =	sld [smem:$0x3F93];
	s0 =	simm.s32 @p1 $0x1  }
0x15: {  	[smem:$0x3FB0] =	sst s0;
	s0 =	simm.s32 @!p2 $0x0  }
0x16: {  	s3 =	sld [smem:$0x3FDB];
	s0 =	simm.s32 @p2 $0x1  }
0x17: {  	s4 =	simm.s32 $0x1BF5;
	[smem:$0x3FB2] =	sst s0  }
0x18: {  	s0 =	sld [smem:$0x3F95];
	_ =	swait.ge [sflag:s4], $0x0  }
0x19: {  	s7 =	sld [smem:$0x3F96]  }
0x1a: {  	s8 =	sadd.s32 $0xFFFFE003, lr  }
0x1b: {  	s9 =	sadd.s32 $0xFFFFFEF7, lr;
	s5 =	simm.s32 $0xFFFFFFFF;
	p2 =	slt.u32 s8, $0xFFFFF086  }
0x1c: {  	p1 =	slt.u32 s9, $0xF7A;
	s5 =	simm.s32 @!p2 $0x0  }
0x1d: {  	s5 =	simm.s32 @p1 $0x1;
	p0 =	seq.s32 s7, s2  }
0x1e: {  	s7 =	smul.u32 @!p0 $0xF7A, s2;
	p2 =	seq.s32 @!p0 s5, $0x0  }
0x1f: {  	s9 =	smul.u32 $0xF7A, s1;
	s8 =	simm.s32 @!p0 $0x1BF5;
	p2 =	por !p2, p0  }
0x20: {  	[sflag:s8] =	ssyncset.s32 @!p0 $0xFFFFF086;
	s6 =	sadd.s32 @!p0 s3, s7;
	s7 =	simm.s32 @!p0 $0x108  }
0x21: {  	s3 =	sadd.s32 s3, s9;
	s6 =	sadd.s32 @!p0 $0x88, s6;
	s7 =	simm.s32 @p2 $0x1082  }
0x22: {  	[simem:s7], [sflag:s8] =	dma.local @!p0 [hbm:s6], $0xF7A  }
0x23: {  	s9 =	sor.u32 $0xD0000000, s2;
	s6 =	simm.s32 $0x108;
	_ =	swait.ge @!p0 [sflag:s8], $0x0  }
0x24: {  	s3 =	sadd.s32 $0x88, s3;
	s6 =	simm.s32 @!p1 $0x1082;
	[sflag:s4] =	ssyncset.s32 $0xFFFFF086  }
0x25: {  	[simem:s6], [sflag:s4] =	dma.local [hbm:s3], $0xF7A  }
0x26: {  	[smem:$0x3F96] =	sst s1;
	(tag) =	ssettag s2;
	_ =	strace s9  }
0x27: {  	s1 =	sld [smem:$0x3FA6]  }
0x28: {  	s2 =	sld [smem:$0x3FA7]  }
0x29: {  	s4 =	sld [smem:$0x3FA9]  }
0x2a: {  	p0 =	seq.s32 s5, $0x0;
	s5 =	sld [smem:$0x3FAA]  }
0x2b: {  	s6 =	sld [smem:$0x3FAB]  }
0x2c: {  	s7 =	sld [smem:$0x3FAC]  }
0x2d: {  	s3 =	simm.s32 $0x108;
	s8 =	sld [smem:$0x3FAD]  }
0x2e: {  	s3 =	simm.s32 @!p0 $0x1082;
	s9 =	sld [smem:$0x3FAE]  }
0x2f: {  	lr =	sadd.s32 s0, s3;
	s0 =	sld [smem:$0x3FA5]  }
0x30: {  	s3 =	sld [smem:$0x3FA8]  }
0x31: {  	[smem:$0x3FB1] =	sst s10  }
0x32: {  	s10 =	sld [smem:$0x3FAF];
	_ =	sdelay $0x3  }
0x33: {  	p0 =	seq.s32 s10, $0x1;
	s10 =	sld [smem:$0x3FB1];
	_ =	sdelay $0x3  }
0x34: {  	[smem:$0x3FB1] =	sst s10  }
0x35: {  	s10 =	sld [smem:$0x3FB0];
	_ =	sdelay $0x3  }
0x36: {  	p1 =	seq.s32 s10, $0x1;
	s10 =	sld [smem:$0x3FB1];
	_ =	sdelay $0x3  }
0x37: {  	[smem:$0x3FB1] =	sst s10  }
0x38: {  	s10 =	sld [smem:$0x3FB2]  }
0x39: {  	_ = 	snop;
	(pc) =	sbr.ind lr, $3  }
0x3a: {  	_ = 	snop  }
0x3b: {  	_ = 	snop  }
0x3c: {  	p2 =	seq.s32 s10, $0x1;
	s10 =	sld [smem:$0x3FB1]  }
0x3d: {  	_ =	shalt  }
0x3e: {  	_ =	shalt  }
0x3f: {  	_ =	shalt  }
0x40: {  	_ =	shalt  }
0x41: {  	_ =	shalt  }
0x42: {  	_ =	shalt  }
0x43: {  	_ =	shalt  }
0x44: {  	_ =	shalt  }
0x45: {  	_ =	shalt  }
0x46: {  	_ =	shalt  }
0x47: {  	_ =	shalt  }
0x48: {  	_ =	shalt  }
0x49: {  	_ =	shalt  }
0x4a: {  	_ =	shalt  }
0x4b: {  	_ =	shalt  }
0x4c: {  	_ =	shalt  }
0x4d: {  	_ =	shalt  }
0x4e: {  	_ =	shalt  }
0x4f: {  	_ =	shalt  }
0x50: {  	_ =	shalt  }
0x51: {  	_ =	shalt  }
0x52: {  	_ =	shalt  }
0x53: {  	_ =	shalt  }
0x54: {  	_ =	shalt  }
0x55: {  	_ =	shalt  }
0x56: {  	_ =	shalt  }
0x57: {  	_ =	shalt  }
0x58: {  	_ =	shalt  }
0x59: {  	_ =	shalt  }
0x5a: {  	_ =	shalt  }
0x5b: {  	_ =	shalt  }
0x5c: {  	_ =	shalt  }
0x5d: {  	_ =	shalt  }
0x5e: {  	_ =	shalt  }
0x5f: {  	_ =	shalt  }
0x60: {  	_ =	shalt  }
0x61: {  	_ =	shalt  }
0x62: {  	_ =	shalt  }
0x63: {  	_ =	shalt  }
0x64: {  	_ =	shalt  }
0x65: {  	_ =	shalt  }
0x66: {  	_ =	shalt  }
0x67: {  	_ =	shalt  }
0x68: {  	_ =	shalt  }
0x69: {  	_ =	shalt  }
0x6a: {  	_ =	shalt  }
0x6b: {  	_ =	shalt  }
0x6c: {  	_ =	shalt  }
0x6d: {  	_ =	shalt  }
0x6e: {  	_ =	shalt  }
0x6f: {  	_ =	shalt  }
0x70: {  	_ =	shalt  }
0x71: {  	_ =	shalt  }
0x72: {  	_ =	shalt  }
0x73: {  	_ =	shalt  }
0x74: {  	_ =	shalt  }
0x75: {  	_ =	shalt  }
0x76: {  	_ =	shalt  }
0x77: {  	_ =	shalt  }
0x78: {  	_ =	shalt  }
0x79: {  	_ =	shalt  }
0x7a: {  	_ =	shalt  }
0x7b: {  	_ =	shalt  }
0x7c: {  	_ =	shalt  }
0x7d: {  	_ =	shalt  }
0x7e: {  	_ =	shalt  }
0x7f: {  	_ =	shalt  }
0x80: {  	_ =	shalt  }
0x81: {  	_ =	shalt  }
0x82: {  	_ =	shalt  }
0x83: {  	_ =	shalt  }
0x84: {  	_ =	shalt  }
0x85: {  	_ =	shalt  }
0x86: {  	_ =	shalt  }
0x87: {  	_ =	shalt  }
.Lfunc_end0:
.L_simem_size_0:
called_computation.1_lowered:
.L_overlay_start_0:
0x88: {  	s2 =	sld [smem:$0x3FD9]  }
0x89: {  	s3 =	sld [smem:$0x3FFE];
	_ =	sdelay $0x1  }
0x8a: {  	s1 =	srdreg.scid  }
0x8b: {  	s0 =	sand.u32 $0x1, s1  }
0x8c: {  	s16 =	sshll.u32 s0, $0xA;
	s2 =	sadd.s32 s3, s2  }
0x8d: {  	s2 =	sadd.s32 s2, s16  }
0x8e: {  	[smem:$0x3FBD] =	sst s2  }
0x8f: {  	_ = 	snop  }
0x90: {  	(tm) =	ssettm $0x1  }
0x91: {  	s17 =	sld [smem:$0x3FFB];
	_ =	sdelay $0x3  }
0x92: {  	_ =	strace s17  }
0x93: {  	s2 =	sld [smem:$0x3FFC];
	_ =	sdelay $0x3  }
0x94: {  	_ =	strace s2  }
0x95: {  	s2 =	sld [smem:$0x3FFD];
	_ =	sdelay $0x3  }
0x96: {  	_ =	strace s2  }
0x97: {  	_ =	strace $0x8FFFFFFF  }
0x98: {  	s18 =	sld [smem:$0x3FDB];
	_ =	sdelay $0x1  }
0x99: {  	s19 =	simm.s32 $_scs_section_size  }
0x9a: {  	s4 =	simm.s32 $_size__tile_overlayer_lowered;
	s5 =	simm.s32 $_tile_overlayer_lowered  }
0x9b: {  	s22 =	simm.s32 $0x1BFF;
	s21 =	sshll.u32 s5, $0x1;
	s2 =	sadd.s32 s19, s18  }
0x9c: {  	s6 =	simm.s32 $0x0;
	s20 =	sshll.u32 s4, $0x1;
	s4 =	sadd.s32 s21, s2  }
0x9d: {  	[timem:s6], [sflag:s22] =	dma.local [hbm:s4], s20  }
0x9e: {  	_ =	swait.ge [sflag:s22], s20  }
0x9f: {  	s3 =	ssub.s32 $0x0, s20;
	[sflag:s22] =	ssyncset.done $0x0  }
0xa0: {  	[sflag:s22] =	ssyncadd.s32 s3;
	_ =	sdelay $0x1  }
0xa1: {  	s23 =	simm.s32 $0x1B8B  }
0xa2: {  	_ =	swait.ge [sflag:s23], $0x1  }
0xa3: {  	[sflag:s23] =	ssyncset.done $0x0  }
0xa4: {  	s25 =	simm.s32 $0x1B8E;
	s24 =	sld [smem:$0x3FFE];
	[sflag:s23] =	ssyncadd.s32 $0xFFFFFFFF  }
0xa5: {  	s26 =	simm.s32 $execute0_lowered;
	[smem:$0x3FD2] =	sst s25  }
0xa6: {  	s4 =	sshll.u32 s26, $0x1;
	_ =	strace $0x80000049;
	[dreg:$0x1] =	wrdreg $0xFFFFFFFF  }
0xa7: {  	s28 =	simm.s32 $_size_execute0_lowered;
	s2 =	sadd.s32 s2, s4;
	[dreg:$0x0] =	wrdreg $0x0  }
0xa8: {  	s4 =	sshll.u32 s28, $0x1;
	[dreg:$0x2] =	wrdreg s2  }
0xa9: {  	[dreg:$0x3] =	wrdreg s4  }
0xaa: {  	[dreg:$0x4] =	wrdreg $0xC0  }
0xab: {  	_ =	task [dreg:s6], $0x5FFFF  }
0xac: {  	[dreg:$0x1] =	wrdreg $0xFFFFFFFF  }
0xad: {  	[dreg:$0x0] =	wrdreg $0x60  }
0xae: {  	[dreg:$0x2] =	wrdreg s24  }
0xaf: {  	[dreg:$0x3] =	wrdreg $0xC3800  }
0xb0: {  	[dreg:$0x4] =	wrdreg $0x9  }
0xb1: {  	_ =	task.clear_ibuf [dreg:s6], $0x5FFFF;
	_ =	strace $0x90000049  }
0xb2: {  	s29 =	simm.s32 $0x9;
	_ =	strace $0x8000004B  }
0xb3: {  	_ =	swait.ge [sflag:s29], $0x1  }
0xb4: {  	[sflag:s29] =	ssyncadd.s32 $0xFFFFFFFF  }
0xb5: {  	_ =	strace $0x9000004B  }
0xb6: {  	_ =	sfence  }
0xb7: {  	s30 =	sld [smem:$0x0];
	_ =	sdelay $0x2  }
0xb8: {  	s31 =	sshll.u32 s1, $0xD;
	s1 =	sshrl.u32 s1, $0x2  }
0xb9: {  	s3 =	sand.u32 $0x4000, s31;
	s1 =	sadd.s32 s1, s30  }
0xba: {  	s0 =	sor.u32 s3, s0;
	s1 =	sshll.u32 s1, $0x11  }
0xbb: {  	s0 =	sor.u32 s1, s0  }
0xbc: {  	s0 =	sadd.s32 $0x8F2B, s0  }
0xbd: {  	[sflag:s0] =	ssyncadd.remote.s32 $0x1  }
0xbe: {  	_ =	sfence.sel $0xFFFF  }
0xbf: {  	[dreg:$0x0] =	wrdreg $0xFFFFFFFF;
	(pc) =	sbr.abs _section_cstart, $3  }
0xc0: {  	[dreg:$0x1] =	wrdreg $0xFFFFFFFF  }
0xc1: {  	_ =	task.clear_ibuf [dreg:s6], $0x2FFFF;
	_ =	strace $0x9FFFFFFF  }
0xc2: {  	(tm) =	ssettm $0x7FFFFFFF  }
0xc3: {  	_ =	shalt  }
tec
execute0_lowered:
.L_overlay_start_1:
0x0: {  	(tag) =	ssettag $0x1  }
0x1: {  	s1 =	srdreg.scid  }
0x2: {  	s0 =	stileid.u32;
	s6 =	rddreg [dreg:$0x0]  }
0x3: {  	s2 =	rddreg [dreg:$0x1];
	s14 =	simm.s32 $0x2780;
	s16 =	simm.s32 $0x1  }
0x4: {  	s17 =	simm.s32 $0x2;
	s18 =	simm.s32 $0x68;
	s19 =	simm.s32 $0x5B80  }
0x5: {  	s20 =	simm.s32 $0x8F80;
	s21 =	simm.s32 $0x3;
	s22 =	simm.s32 $0x4  }
0x6: {  	s23 =	simm.s32 $0x5680;
	s24 =	simm.s32 $0x2700;
	s10 =	smul.u32 $0x13C00, s0  }
0x7: {  	s28 =	simm.s32 $0x0;
	s26 =	sshrl.u32 s0, $0x2;
	s12 =	smul.u32 $0x4F000, s0  }
0x8: {  	s5 =	sand.u32 $0x1, s1;
	s25 =	sshll.u32 s0, $0x1;
	s4 =	smul.u32 $0x13C00, s26  }
0x9: {  	s3 =	sor.u32 s5, s25;
	s29 =	smul.u32 $0x13C000, s5;
	s30 =	ssub.s32 $0x2, s5  }
0xa: {  	s5 =	sadd.s32 $0x18E00, s6;
	s25 =	simm.s32 $0x5700;
	s26 =	simm.s32 $0x5780  }
0xb: {  	s7 =	sshll.u32 s3, $0x7;
	s8 =	smul.u32 $0x680, s3;
	s3 =	simm.s32 $0x0  }
0xc: {  	s11 =	sshrl.u32 s30, $0x1;
	s31 =	sshrl.u32 s12, $0x2;
	s12 =	simm.s32 $0x80  }
0xd: {  	s7 =	sand.u32 $0x380, s7;
	[smem:$0x7FF] =	sst s3;
	s11 =	ssub.s32 s30, s11  }
0xe: {  	s15 =	sadd.s32 s31, s2;
	s4 =	sor.u32 s4, s7;
	_ =	strace $0x8000004A  }
0xf: {  	s8 =	sadd.s32 s8, s6;
	s7 =	sadd.s32 s10, s29;
	s11 =	smax.u32 s11, $0x1  }
0x10: {  	s15 =	sshrl.u32 s15, $0x3;
	s9 =	sshrl.u32 s4, $0x3;
	s4 =	sadd.s32 $0x1B600, s6  }
0x11: {  	s7 =	sshrl.u32 s7, $0x3;
	s8 =	sadd.s32 $0x2000, s8;
	s9 =	sadd.s32 s9, s6  }
0x12: {  	s13 =	sadd.s32 s7, s6;
	s7 =	sshll.u32 s0, $0x6;
	s6 =	sadd.s32 $0xF000, s9  }
0x13: {  	s9 =	sor.u32 $0x1C03, s7;
	s10 =	sadd.s32 $0x42800, s13;
	s13 =	simm.s32 $0x400  }
.LBB2_1:
0x14: {  	[tilespmem:s3], [sflag:$0x1] =	stream.strided.gather [hbm4b:s6+s12], $0x2780, s13, s12, $0x38;
	[tilespmem:$0x1FF80] =	vst v63  }
0x15: {  	_ = 	snop  }
0x16: {  	[tilespmem:s14], [sflag:$0x2] =	stream.linear.gather [hbm4b:s8+s3], $0x3080, $0x38;
	[tilespmem:$0x1FF80] =	vst v63  }
0x17: {  	[spmem:s15], [sflag:s9] =	dma.local [hbm:s5], $0x2780  }
0x18: {  	_ =	swait.ge [sflag:s16], $0x2780  }
0x19: {  	[sflag:s16] =	ssyncset.done $0x0  }
0x1a: {  	[sflag:s16] =	ssyncadd.s32 $0xFFFFD880  }
0x1b: {  	_ =	swait.ge [sflag:s17], $0x3080  }
0x1c: {  	[sflag:s17] =	ssyncset.done $0x0  }
0x1d: {  	[sflag:s17] =	ssyncadd.s32 $0xFFFFCF80  }
0x1e: {  	[tilespmem:s19], [sflag:$0x1] =	stream.indirect.gather [hbm4b:s4+s18], $0x80, s3, s18, $0xb8;
	[tilespmem:$0x1FF80] =	vst v63  }
0x1f: {  	_ = 	snop  }
0x20: {  	[tilespmem:s20], [sflag:$0x2] =	stream.indirect.gather [hbm4b:s4+s18], $0x80, s18, s18, $0xb8;
	[tilespmem:$0x1FF80] =	vst v63  }
0x21: {  	_ =	swait.ge [sflag:s21], $0x2780  }
0x22: {  	[sflag:s21] =	ssyncset.done $0x0  }
0x23: {  	[sflag:s21] =	ssyncadd.s32 $0xFFFFD880  }
0x24: {  	[bflag:$0x0] =	sbarrier.arrive $0xFFFF  }
0x25: {  	_ =	swait.ge [sflag:s16], $0x3400  }
0x26: {  	[sflag:s16] =	ssyncset.done $0x0  }
0x27: {  	s29 =	simm.s32 $0x2780;
	[sflag:s16] =	ssyncadd.s32 $0xFFFFCC00  }
0x28: {  	[spmem:s2] =	stream.indirect.scatter.add.f32 [tilespmem:s19], [sflag:$0x4], $0x80, s29, s18, $0xb8;
	[tilespmem:$0x1FF80] =	vst v63  }
0x29: {  	_ =	swait.ge [sflag:s22], $0x3400  }
0x2a: {  	[sflag:s22] =	ssyncset.done $0x0  }
0x2b: {  	s29 =	simm.s32 $0xD0;
	[sflag:s22] =	ssyncadd.s32 $0xFFFFCC00  }
0x2c: {  	[tilespmem:s19], [sflag:$0x1] =	stream.indirect.gather [hbm4b:s4+s18], $0x80, s29, s18, $0xb8;
	[tilespmem:$0x1FF80] =	vst v63  }
0x2d: {  	_ =	swait.ge [sflag:s17], $0x3400  }
0x2e: {  	[sflag:s17] =	ssyncset.done $0x0  }
0x2f: {  	s29 =	simm.s32 $0x2800;
	[sflag:s17] =	ssyncadd.s32 $0xFFFFCC00  }
0x30: {  	[spmem:s2] =	stream.indirect.scatter.add.f32 [tilespmem:s20], [sflag:$0x4], $0x80, s29, s18, $0xb8;
	[tilespmem:$0x1FF80] =	vst v63  }
0x31: {  	_ =	swait.ge [sflag:s22], $0x3400  }
0x32: {  	s30 =	simm.s32 $0x400;
	[sflag:s22] =	ssyncset.done $0x0  }
0x33: {  	s31 =	simm.s32 $0x208;
	s29 =	simm.s32 $0x138;
	[sflag:s22] =	ssyncadd.s32 $0xFFFFCC00  }
.LBB2_2:
0x34: {  	[tilespmem:s20], [sflag:$0x2] =	stream.indirect.gather [hbm4b:s4+s18], $0x80, s29, s18, $0xb8;
	[tilespmem:$0x1FF80] =	vst v63  }
0x35: {  	s1 =	smov.u32 s30;
	s29 =	smov.u32 s31  }
0x36: {  	p0 =	sne.s32 s30, $0xB800;
	s30 =	sadd.s32 $0x400, s30;
	_ =	swait.ge [sflag:s16], $0x3400  }
0x37: {  	s1 =	sshra.s32 s1, $0x2;
	[sflag:s16] =	ssyncset.done $0x0  }
0x38: {  	s0 =	sadd.s32 $0x2780, s1;
	[sflag:s16] =	ssyncadd.s32 $0xFFFFCC00  }
0x39: {  	[spmem:s2] =	stream.indirect.scatter.add.f32 [tilespmem:s19], [sflag:$0x4], $0x80, s0, s18, $0xb8;
	[tilespmem:$0x1FF80] =	vst v63  }
0x3a: {  	_ =	swait.ge [sflag:s22], $0x3400  }
0x3b: {  	[sflag:s22] =	ssyncset.done $0x0  }
0x3c: {  	s0 =	sadd.s32 $0xFFFFFF98, s31;
	[sflag:s22] =	ssyncadd.s32 $0xFFFFCC00  }
0x3d: {  	[tilespmem:s19], [sflag:$0x1] =	stream.indirect.gather [hbm4b:s4+s18], $0x80, s0, s18, $0xb8;
	[tilespmem:$0x1FF80] =	vst v63  }
0x3e: {  	_ =	swait.ge [sflag:s17], $0x3400  }
0x3f: {  	[sflag:s17] =	ssyncset.done $0x0  }
.Ltmp0:
0x40: {  	s0 =	sadd.s32 $0x2800, s1;
	[sflag:s17] =	ssyncadd.s32 $0xFFFFCC00;
	(pc) =	sbr.rel @p0 .LBB2_2-.Ltmp0, $4  }
0x41: {  	[spmem:s2] =	stream.indirect.scatter.add.f32 [tilespmem:s20], [sflag:$0x4], $0x80, s0, s18, $0xb8;
	[tilespmem:$0x1FF80] =	vst v63  }
0x42: {  	_ =	swait.ge [sflag:s22], $0x3400  }
0x43: {  	[sflag:s22] =	ssyncset.done $0x0  }
0x44: {  	s31 =	sadd.s32 $0xD0, s31;
	[sflag:s22] =	ssyncadd.s32 $0xFFFFCC00  }
0x45: {  	[tilespmem:s20], [sflag:$0x2] =	stream.indirect.gather [hbm4b:s4+s18], $0x80, s29, s18, $0xb8;
	[tilespmem:$0x1FF80] =	vst v63  }
0x46: {  	_ =	swait.ge [sflag:s16], $0x3400  }
0x47: {  	[sflag:s16] =	ssyncset.done $0x0  }
0x48: {  	[sflag:s16] =	ssyncadd.s32 $0xFFFFCC00  }
0x49: {  	[spmem:s2] =	stream.indirect.scatter.add.f32 [tilespmem:s19], [sflag:$0x4], $0x80, s23, s18, $0xb8;
	[tilespmem:$0x1FF80] =	vst v63  }
0x4a: {  	_ =	swait.ge [sflag:s22], $0x3400  }
0x4b: {  	[sflag:s22] =	ssyncset.done $0x0  }
0x4c: {  	[sflag:s22] =	ssyncadd.s32 $0xFFFFCC00  }
0x4d: {  	[tilespmem:s19], [sflag:$0x1] =	stream.indirect.gather [hbm4b:s4+s18], $0x80, s24, s18, $0xb8;
	[tilespmem:$0x1FF80] =	vst v63  }
0x4e: {  	_ =	swait.ge [sflag:s17], $0x3400  }
0x4f: {  	[sflag:s17] =	ssyncset.done $0x0  }
0x50: {  	[sflag:s17] =	ssyncadd.s32 $0xFFFFCC00  }
0x51: {  	[spmem:s2] =	stream.indirect.scatter.add.f32 [tilespmem:s20], [sflag:$0x4], $0x80, s25, s18, $0xb8;
	[tilespmem:$0x1FF80] =	vst v63  }
0x52: {  	_ =	swait.ge [sflag:s22], $0x3400  }
0x53: {  	[sflag:s22] =	ssyncset.done $0x0  }
0x54: {  	[sflag:s22] =	ssyncadd.s32 $0xFFFFCC00  }
0x55: {  	_ =	swait.ge [sflag:s16], $0x3400  }
0x56: {  	[sflag:s16] =	ssyncset.done $0x0  }
0x57: {  	[sflag:s16] =	ssyncadd.s32 $0xFFFFCC00  }
0x58: {  	[spmem:s2] =	stream.indirect.scatter.add.f32 [tilespmem:s19], [sflag:$0x4], $0x80, s26, s18, $0xb8;
	[tilespmem:$0x1FF80] =	vst v63  }
0x59: {  	_ =	swait.ge [sflag:s22], $0x3400  }
0x5a: {  	s28 =	sadd.s32 $0x1, s28;
	[sflag:s22] =	ssyncset.done $0x0  }
0x5b: {  	p0 =	sne.s32 s28, s11;
	[sflag:s22] =	ssyncadd.s32 $0xFFFFCC00  }
.Ltmp1:
0x5c: {  	s0 =	sor.u32 $0x1C04, s7;
	[bflag:$0x0] =	sbarrier.arrive $0xFFFF;
	(pc) =	sbr.rel @p0 .LBB2_1-.Ltmp1, $4  }
0x5d: {  	[hbm:s10], [sflag:s0] =	dma.local [spmem:s15], $0x2780  }
0x5e: {  	_ =	swait.ge [sflag:s22], $0x2780  }
0x5f: {  	[sflag:s22] =	ssyncset.done $0x0  }
0x60: {  	[sflag:s22] =	ssyncadd.s32 $0xFFFFD880  }
0x61: {  	_ =	sfence.sel $0x180000  }
0x62: {  	[bflag:$0x0] =	sbarrier.arrive $0xFFFF  }
0x63: {  	_ =	strace $0x9000004A  }
0x64: {  	s0 =	stileid.u32;
	[bflag:$0x2] =	sbarrier.arrive $0xFFFF  }
0x65: {  	p0 =	sne.s32 s0, $0x0;
	s0 =	rddreg [dreg:$0x2]  }
0x66: {  	s0 =	sadd.s32 @!p0 $0x100000, s0  }
0x67: {  	[sflag:s0] =	ssyncadd.tile.s32 @!p0 $0x1;
	_ =	shalt  }
.Lfunc_end2:
_tile_overlayer_lowered:
.L_overlay_start_2:
0x68: {  	(tag) =	ssettag $0x2  }
0x69: {  	s0 =	rddreg [dreg:$0x0];
	s2 =	stileid.u32  }
0x6a: {  	s1 =	rddreg [dreg:$0x1];
	p0 =	sne.s32 s2, $0x0  }
0x6b: {  	s3 =	rddreg [dreg:$0x2];
	[bflag:$0x3] =	sbarrier.arrive $0xFFFF;
	s2 =	simm.s32 @!p0 $0x1C04  }
0x6c: {  	[timem:s3], [sflag:s2] =	dma.local @!p0 [hbm:s0], s1  }
0x6d: {  	s0 =	simm.s32 @!p0 $0x4  }
0x6e: {  	_ =	swait.ge @!p0 [sflag:s0], s1  }
0x6f: {  	s1 =	ssub.s32 @!p0 $0x0, s1;
	[sflag:s0] =	ssyncset.done @!p0 $0x0  }
0x70: {  	[sflag:s0] =	ssyncadd.s32 @!p0 s1  }
0x71: {  	[bflag:$0x3] =	sbarrier.arrive $0xFFFF  }
0x72: {  	_ =	shalt  }

// kernel: kernel.14.cloned.1.call-start
scs
__scs_entry_jumppad:
0x0: {  	(pc) =	sbr.rel $0x88, $3  }
0x1: {  	(tag) =	ssettag $0x0;
	lr =	simm.s32 $0x1  }
0x2: {  	[smem:$0x3F96] =	sst lr;
	_ =	strace $0xD0000000  }
0x3: {  	_ = 	snop  }
0x4: {  	_ = 	snop  }
0x5: {  	_ = 	snop  }
0x6: {  	_ = 	snop  }
0x7: {  	_ = 	snop  }
__scs_overlays_trampoline_lowered:
0x8: {  	[smem:$0x3FA5] =	sst s0  }
0x9: {  	[smem:$0x3FA6] =	sst s1  }
0xa: {  	[smem:$0x3FA7] =	sst s2  }
0xb: {  	[smem:$0x3FA8] =	sst s3  }
0xc: {  	[smem:$0x3FA9] =	sst s4  }
0xd: {  	[smem:$0x3FAA] =	sst s5  }
0xe: {  	[smem:$0x3FAB] =	sst s6  }
0xf: {  	[smem:$0x3FAC] =	sst s7  }
0x10: {  	[smem:$0x3FAD] =	sst s8  }
0x11: {  	[smem:$0x3FAE] =	sst s9;
	s0 =	simm.s32 @!p0 $0x0  }
0x12: {  	s1 =	sld [smem:$0x3F94];
	s0 =	simm.s32 @p0 $0x1  }
0x13: {  	[smem:$0x3FAF] =	sst s0;
	s0 =	simm.s32 @!p1 $0x0  }
0x14: {  	s2 =	sld [smem:$0x3F93];
	s0 =	simm.s32 @p1 $0x1  }
0x15: {  	[smem:$0x3FB0] =	sst s0;
	s0 =	simm.s32 @!p2 $0x0  }
0x16: {  	s3 =	sld [smem:$0x3FDB];
	s0 =	simm.s32 @p2 $0x1  }
0x17: {  	s4 =	simm.s32 $0x1BF5;
	[smem:$0x3FB2] =	sst s0  }
0x18: {  	s0 =	sld [smem:$0x3F95];
	_ =	swait.ge [sflag:s4], $0x0  }
0x19: {  	s7 =	sld [smem:$0x3F96]  }
0x1a: {  	s8 =	sadd.s32 $0xFFFFE003, lr  }
0x1b: {  	s9 =	sadd.s32 $0xFFFFFEF7, lr;
	s5 =	simm.s32 $0xFFFFFFFF;
	p2 =	slt.u32 s8, $0xFFFFF086  }
0x1c: {  	p1 =	slt.u32 s9, $0xF7A;
	s5 =	simm.s32 @!p2 $0x0  }
0x1d: {  	s5 =	simm.s32 @p1 $0x1;
	p0 =	seq.s32 s7, s2  }
0x1e: {  	s7 =	smul.u32 @!p0 $0xF7A, s2;
	p2 =	seq.s32 @!p0 s5, $0x0  }
0x1f: {  	s9 =	smul.u32 $0xF7A, s1;
	s8 =	simm.s32 @!p0 $0x1BF5;
	p2 =	por !p2, p0  }
0x20: {  	[sflag:s8] =	ssyncset.s32 @!p0 $0xFFFFF086;
	s6 =	sadd.s32 @!p0 s3, s7;
	s7 =	simm.s32 @!p0 $0x108  }
0x21: {  	s3 =	sadd.s32 s3, s9;
	s6 =	sadd.s32 @!p0 $0x88, s6;
	s7 =	simm.s32 @p2 $0x1082  }
0x22: {  	[simem:s7], [sflag:s8] =	dma.local @!p0 [hbm:s6], $0xF7A  }
0x23: {  	s9 =	sor.u32 $0xD0000000, s2;
	s6 =	simm.s32 $0x108;
	_ =	swait.ge @!p0 [sflag:s8], $0x0  }
0x24: {  	s3 =	sadd.s32 $0x88, s3;
	s6 =	simm.s32 @!p1 $0x1082;
	[sflag:s4] =	ssyncset.s32 $0xFFFFF086  }
0x25: {  	[simem:s6], [sflag:s4] =	dma.local [hbm:s3], $0xF7A  }
0x26: {  	[smem:$0x3F96] =	sst s1;
	(tag) =	ssettag s2;
	_ =	strace s9  }
0x27: {  	s1 =	sld [smem:$0x3FA6]  }
0x28: {  	s2 =	sld [smem:$0x3FA7]  }
0x29: {  	s4 =	sld [smem:$0x3FA9]  }
0x2a: {  	p0 =	seq.s32 s5, $0x0;
	s5 =	sld [smem:$0x3FAA]  }
0x2b: {  	s6 =	sld [smem:$0x3FAB]  }
0x2c: {  	s7 =	sld [smem:$0x3FAC]  }
0x2d: {  	s3 =	simm.s32 $0x108;
	s8 =	sld [smem:$0x3FAD]  }
0x2e: {  	s3 =	simm.s32 @!p0 $0x1082;
	s9 =	sld [smem:$0x3FAE]  }
0x2f: {  	lr =	sadd.s32 s0, s3;
	s0 =	sld [smem:$0x3FA5]  }
0x30: {  	s3 =	sld [smem:$0x3FA8]  }
0x31: {  	[smem:$0x3FB1] =	sst s10  }
0x32: {  	s10 =	sld [smem:$0x3FAF];
	_ =	sdelay $0x3  }
0x33: {  	p0 =	seq.s32 s10, $0x1;
	s10 =	sld [smem:$0x3FB1];
	_ =	sdelay $0x3  }
0x34: {  	[smem:$0x3FB1] =	sst s10  }
0x35: {  	s10 =	sld [smem:$0x3FB0];
	_ =	sdelay $0x3  }
0x36: {  	p1 =	seq.s32 s10, $0x1;
	s10 =	sld [smem:$0x3FB1];
	_ =	sdelay $0x3  }
0x37: {  	[smem:$0x3FB1] =	sst s10  }
0x38: {  	s10 =	sld [smem:$0x3FB2]  }
0x39: {  	_ = 	snop;
	(pc) =	sbr.ind lr, $3  }
0x3a: {  	_ = 	snop  }
0x3b: {  	_ = 	snop  }
0x3c: {  	p2 =	seq.s32 s10, $0x1;
	s10 =	sld [smem:$0x3FB1]  }
0x3d: {  	_ =	shalt  }
0x3e: {  	_ =	shalt  }
0x3f: {  	_ =	shalt  }
0x40: {  	_ =	shalt  }
0x41: {  	_ =	shalt  }
0x42: {  	_ =	shalt  }
0x43: {  	_ =	shalt  }
0x44: {  	_ =	shalt  }
0x45: {  	_ =	shalt  }
0x46: {  	_ =	shalt  }
0x47: {  	_ =	shalt  }
0x48: {  	_ =	shalt  }
0x49: {  	_ =	shalt  }
0x4a: {  	_ =	shalt  }
0x4b: {  	_ =	shalt  }
0x4c: {  	_ =	shalt  }
0x4d: {  	_ =	shalt  }
0x4e: {  	_ =	shalt  }
0x4f: {  	_ =	shalt  }
0x50: {  	_ =	shalt  }
0x51: {  	_ =	shalt  }
0x52: {  	_ =	shalt  }
0x53: {  	_ =	shalt  }
0x54: {  	_ =	shalt  }
0x55: {  	_ =	shalt  }
0x56: {  	_ =	shalt  }
0x57: {  	_ =	shalt  }
0x58: {  	_ =	shalt  }
0x59: {  	_ =	shalt  }
0x5a: {  	_ =	shalt  }
0x5b: {  	_ =	shalt  }
0x5c: {  	_ =	shalt  }
0x5d: {  	_ =	shalt  }
0x5e: {  	_ =	shalt  }
0x5f: {  	_ =	shalt  }
0x60: {  	_ =	shalt  }
0x61: {  	_ =	shalt  }
0x62: {  	_ =	shalt  }
0x63: {  	_ =	shalt  }
0x64: {  	_ =	shalt  }
0x65: {  	_ =	shalt  }
0x66: {  	_ =	shalt  }
0x67: {  	_ =	shalt  }
0x68: {  	_ =	shalt  }
0x69: {  	_ =	shalt  }
0x6a: {  	_ =	shalt  }
0x6b: {  	_ =	shalt  }
0x6c: {  	_ =	shalt  }
0x6d: {  	_ =	shalt  }
0x6e: {  	_ =	shalt  }
0x6f: {  	_ =	shalt  }
0x70: {  	_ =	shalt  }
0x71: {  	_ =	shalt  }
0x72: {  	_ =	shalt  }
0x73: {  	_ =	shalt  }
0x74: {  	_ =	shalt  }
0x75: {  	_ =	shalt  }
0x76: {  	_ =	shalt  }
0x77: {  	_ =	shalt  }
0x78: {  	_ =	shalt  }
0x79: {  	_ =	shalt  }
0x7a: {  	_ =	shalt  }
0x7b: {  	_ =	shalt  }
0x7c: {  	_ =	shalt  }
0x7d: {  	_ =	shalt  }
0x7e: {  	_ =	shalt  }
0x7f: {  	_ =	shalt  }
0x80: {  	_ =	shalt  }
0x81: {  	_ =	shalt  }
0x82: {  	_ =	shalt  }
0x83: {  	_ =	shalt  }
0x84: {  	_ =	shalt  }
0x85: {  	_ =	shalt  }
0x86: {  	_ =	shalt  }
0x87: {  	_ =	shalt  }
.Lfunc_end0:
.L_simem_size_0:
called_computation.2_lowered:
.L_overlay_start_0:
0x88: {  	s2 =	sld [smem:$0x3FD9]  }
0x89: {  	s3 =	sld [smem:$0x3FFE];
	_ =	sdelay $0x1  }
0x8a: {  	s1 =	srdreg.scid  }
0x8b: {  	s0 =	sand.u32 $0x1, s1  }
0x8c: {  	s16 =	sshll.u32 s0, $0xA;
	s2 =	sadd.s32 s3, s2  }
0x8d: {  	s2 =	sadd.s32 s2, s16  }
0x8e: {  	[smem:$0x3FBD] =	sst s2  }
0x8f: {  	_ = 	snop  }
0x90: {  	(tm) =	ssettm $0x1  }
0x91: {  	s17 =	sld [smem:$0x3FFB];
	_ =	sdelay $0x3  }
0x92: {  	_ =	strace s17  }
0x93: {  	s2 =	sld [smem:$0x3FFC];
	_ =	sdelay $0x3  }
0x94: {  	_ =	strace s2  }
0x95: {  	s2 =	sld [smem:$0x3FFD];
	_ =	sdelay $0x3  }
0x96: {  	_ =	strace s2  }
0x97: {  	_ =	strace $0x8FFFFFFF  }
0x98: {  	s18 =	sld [smem:$0x3FDB];
	_ =	sdelay $0x1  }
0x99: {  	s19 =	simm.s32 $_scs_section_size  }
0x9a: {  	s4 =	simm.s32 $_size__tile_overlayer_lowered;
	s5 =	simm.s32 $_tile_overlayer_lowered  }
0x9b: {  	s22 =	simm.s32 $0x1BFF;
	s21 =	sshll.u32 s5, $0x1;
	s2 =	sadd.s32 s19, s18  }
0x9c: {  	s6 =	simm.s32 $0x0;
	s20 =	sshll.u32 s4, $0x1;
	s4 =	sadd.s32 s21, s2  }
0x9d: {  	[timem:s6], [sflag:s22] =	dma.local [hbm:s4], s20  }
0x9e: {  	_ =	swait.ge [sflag:s22], s20  }
0x9f: {  	s3 =	ssub.s32 $0x0, s20;
	[sflag:s22] =	ssyncset.done $0x0  }
0xa0: {  	[sflag:s22] =	ssyncadd.s32 s3;
	_ =	sdelay $0x1  }
0xa1: {  	s23 =	simm.s32 $0x1B8B  }
0xa2: {  	_ =	swait.ge [sflag:s23], $0x1  }
0xa3: {  	[sflag:s23] =	ssyncset.done $0x0  }
0xa4: {  	s25 =	simm.s32 $0x1B8E;
	s24 =	sld [smem:$0x3FFE];
	[sflag:s23] =	ssyncadd.s32 $0xFFFFFFFF  }
0xa5: {  	s26 =	simm.s32 $execute0_lowered;
	[smem:$0x3FD2] =	sst s25  }
0xa6: {  	s4 =	sshll.u32 s26, $0x1;
	_ =	strace $0x8000004C;
	[dreg:$0x1] =	wrdreg $0xFFFFFFFF  }
0xa7: {  	s28 =	simm.s32 $_size_execute0_lowered;
	s2 =	sadd.s32 s2, s4;
	[dreg:$0x0] =	wrdreg $0x0  }
0xa8: {  	s4 =	sshll.u32 s28, $0x1;
	[dreg:$0x2] =	wrdreg s2  }
0xa9: {  	[dreg:$0x3] =	wrdreg s4  }
0xaa: {  	[dreg:$0x4] =	wrdreg $0xC0  }
0xab: {  	_ =	task [dreg:s6], $0x5FFFF  }
0xac: {  	[dreg:$0x1] =	wrdreg $0xFFFFFFFF  }
0xad: {  	[dreg:$0x0] =	wrdreg $0x60  }
0xae: {  	[dreg:$0x2] =	wrdreg s24  }
0xaf: {  	[dreg:$0x3] =	wrdreg $0xC3800  }
0xb0: {  	[dreg:$0x4] =	wrdreg $0x9  }
0xb1: {  	_ =	task.clear_ibuf [dreg:s6], $0x5FFFF;
	_ =	strace $0x9000004C  }
0xb2: {  	s29 =	simm.s32 $0x9;
	_ =	strace $0x8000004E  }
0xb3: {  	_ =	swait.ge [sflag:s29], $0x1  }
0xb4: {  	[sflag:s29] =	ssyncadd.s32 $0xFFFFFFFF  }
0xb5: {  	_ =	strace $0x9000004E  }
0xb6: {  	_ =	sfence  }
0xb7: {  	s30 =	sld [smem:$0x0];
	_ =	sdelay $0x2  }
0xb8: {  	s31 =	sshll.u32 s1, $0xD;
	s1 =	sshrl.u32 s1, $0x2  }
0xb9: {  	s3 =	sand.u32 $0x4000, s31;
	s1 =	sadd.s32 s1, s30  }
0xba: {  	s0 =	sor.u32 s3, s0;
	s1 =	sshll.u32 s1, $0x11  }
0xbb: {  	s0 =	sor.u32 s1, s0  }
0xbc: {  	s0 =	sadd.s32 $0x8F2B, s0  }
0xbd: {  	[sflag:s0] =	ssyncadd.remote.s32 $0x1  }
0xbe: {  	_ =	sfence.sel $0xFFFF  }
0xbf: {  	[dreg:$0x0] =	wrdreg $0xFFFFFFFF;
	(pc) =	sbr.abs _section_cstart, $3  }
0xc0: {  	[dreg:$0x1] =	wrdreg $0xFFFFFFFF  }
0xc1: {  	_ =	task.clear_ibuf [dreg:s6], $0x2FFFF;
	_ =	strace $0x9FFFFFFF  }
0xc2: {  	(tm) =	ssettm $0x7FFFFFFF  }
0xc3: {  	_ =	shalt  }
tec
execute0_lowered:
.L_overlay_start_1:
0x0: {  	(tag) =	ssettag $0x1  }
0x1: {  	s1 =	srdreg.scid  }
0x2: {  	s0 =	stileid.u32;
	s6 =	rddreg [dreg:$0x0]  }
0x3: {  	s2 =	rddreg [dreg:$0x1];
	s14 =	simm.s32 $0x2780;
	s16 =	simm.s32 $0x1  }
0x4: {  	s17 =	simm.s32 $0x2;
	s18 =	simm.s32 $0x68;
	s19 =	simm.s32 $0x5B80  }
0x5: {  	s20 =	simm.s32 $0x8F80;
	s21 =	simm.s32 $0x3;
	s22 =	simm.s32 $0x4  }
0x6: {  	s23 =	simm.s32 $0x5680;
	s24 =	simm.s32 $0x2700;
	s10 =	smul.u32 $0x13C00, s0  }
0x7: {  	s28 =	simm.s32 $0x0;
	s26 =	sshrl.u32 s0, $0x2;
	s12 =	smul.u32 $0x4F000, s0  }
0x8: {  	s5 =	sand.u32 $0x1, s1;
	s25 =	sshll.u32 s0, $0x1;
	s4 =	smul.u32 $0x13C00, s26  }
0x9: {  	s3 =	sor.u32 s5, s25;
	s29 =	smul.u32 $0x13C000, s5;
	s30 =	ssub.s32 $0x2, s5  }
0xa: {  	s5 =	sadd.s32 $0x18E00, s6;
	s25 =	simm.s32 $0x5700;
	s26 =	simm.s32 $0x5780  }
0xb: {  	s7 =	sshll.u32 s3, $0x7;
	s8 =	smul.u32 $0x680, s3;
	s3 =	simm.s32 $0x0  }
0xc: {  	s11 =	sshrl.u32 s30, $0x1;
	s31 =	sshrl.u32 s12, $0x2;
	s12 =	simm.s32 $0x80  }
0xd: {  	s7 =	sand.u32 $0x380, s7;
	[smem:$0x7FF] =	sst s3;
	s11 =	ssub.s32 s30, s11  }
0xe: {  	s15 =	sadd.s32 s31, s2;
	s4 =	sor.u32 s4, s7;
	_ =	strace $0x8000004D  }
0xf: {  	s8 =	sadd.s32 s8, s6;
	s7 =	sadd.s32 s10, s29;
	s11 =	smax.u32 s11, $0x1  }
0x10: {  	s15 =	sshrl.u32 s15, $0x3;
	s9 =	sshrl.u32 s4, $0x3;
	s4 =	sadd.s32 $0x1B600, s6  }
0x11: {  	s7 =	sshrl.u32 s7, $0x3;
	s8 =	sadd.s32 $0x2000, s8;
	s9 =	sadd.s32 s9, s6  }
0x12: {  	s13 =	sadd.s32 s7, s6;
	s7 =	sshll.u32 s0, $0x6;
	s6 =	sadd.s32 $0xF000, s9  }
0x13: {  	s9 =	sor.u32 $0x1C03, s7;
	s10 =	sadd.s32 $0x42800, s13;
	s13 =	simm.s32 $0x400  }
.LBB2_1:
0x14: {  	[tilespmem:s3], [sflag:$0x1] =	stream.strided.gather [hbm4b:s6+s12], $0x2780, s13, s12, $0x38;
	[tilespmem:$0x1FF80] =	vst v63  }
0x15: {  	_ = 	snop  }
0x16: {  	[tilespmem:s14], [sflag:$0x2] =	stream.linear.gather [hbm4b:s8+s3], $0x3080, $0x38;
	[tilespmem:$0x1FF80] =	vst v63  }
0x17: {  	[spmem:s15], [sflag:s9] =	dma.local [hbm:s5], $0x2780  }
0x18: {  	_ =	swait.ge [sflag:s16], $0x2780  }
0x19: {  	[sflag:s16] =	ssyncset.done $0x0  }
0x1a: {  	[sflag:s16] =	ssyncadd.s32 $0xFFFFD880  }
0x1b: {  	_ =	swait.ge [sflag:s17], $0x3080  }
0x1c: {  	[sflag:s17] =	ssyncset.done $0x0  }
0x1d: {  	[sflag:s17] =	ssyncadd.s32 $0xFFFFCF80  }
0x1e: {  	[tilespmem:s19], [sflag:$0x1] =	stream.indirect.gather [hbm4b:s4+s18], $0x80, s3, s18, $0xb8;
	[tilespmem:$0x1FF80] =	vst v63  }
0x1f: {  	_ = 	snop  }
0x20: {  	[tilespmem:s20], [sflag:$0x2] =	stream.indirect.gather [hbm4b:s4+s18], $0x80, s18, s18, $0xb8;
	[tilespmem:$0x1FF80] =	vst v63  }
0x21: {  	_ =	swait.ge [sflag:s21], $0x2780  }
0x22: {  	[sflag:s21] =	ssyncset.done $0x0  }
0x23: {  	[sflag:s21] =	ssyncadd.s32 $0xFFFFD880  }
0x24: {  	[bflag:$0x0] =	sbarrier.arrive $0xFFFF  }
0x25: {  	_ =	swait.ge [sflag:s16], $0x3400  }
0x26: {  	[sflag:s16] =	ssyncset.done $0x0  }
0x27: {  	s29 =	simm.s32 $0x2780;
	[sflag:s16] =	ssyncadd.s32 $0xFFFFCC00  }
0x28: {  	[spmem:s2] =	stream.indirect.scatter.add.f32 [tilespmem:s19], [sflag:$0x4], $0x80, s29, s18, $0xb8;
	[tilespmem:$0x1FF80] =	vst v63  }
0x29: {  	_ =	swait.ge [sflag:s22], $0x3400  }
0x2a: {  	[sflag:s22] =	ssyncset.done $0x0  }
0x2b: {  	s29 =	simm.s32 $0xD0;
	[sflag:s22] =	ssyncadd.s32 $0xFFFFCC00  }
0x2c: {  	[tilespmem:s19], [sflag:$0x1] =	stream.indirect.gather [hbm4b:s4+s18], $0x80, s29, s18, $0xb8;
	[tilespmem:$0x1FF80] =	vst v63  }
0x2d: {  	_ =	swait.ge [sflag:s17], $0x3400  }
0x2e: {  	[sflag:s17] =	ssyncset.done $0x0  }
0x2f: {  	s29 =	simm.s32 $0x2800;
	[sflag:s17] =	ssyncadd.s32 $0xFFFFCC00  }
0x30: {  	[spmem:s2] =	stream.indirect.scatter.add.f32 [tilespmem:s20], [sflag:$0x4], $0x80, s29, s18, $0xb8;
	[tilespmem:$0x1FF80] =	vst v63  }
0x31: {  	_ =	swait.ge [sflag:s22], $0x3400  }
0x32: {  	s30 =	simm.s32 $0x400;
	[sflag:s22] =	ssyncset.done $0x0  }
0x33: {  	s31 =	simm.s32 $0x208;
	s29 =	simm.s32 $0x138;
	[sflag:s22] =	ssyncadd.s32 $0xFFFFCC00  }
.LBB2_2:
0x34: {  	[tilespmem:s20], [sflag:$0x2] =	stream.indirect.gather [hbm4b:s4+s18], $0x80, s29, s18, $0xb8;
	[tilespmem:$0x1FF80] =	vst v63  }
0x35: {  	s1 =	smov.u32 s30;
	s29 =	smov.u32 s31  }
0x36: {  	p0 =	sne.s32 s30, $0xB800;
	s30 =	sadd.s32 $0x400, s30;
	_ =	swait.ge [sflag:s16], $0x3400  }
0x37: {  	s1 =	sshra.s32 s1, $0x2;
	[sflag:s16] =	ssyncset.done $0x0  }
0x38: {  	s0 =	sadd.s32 $0x2780, s1;
	[sflag:s16] =	ssyncadd.s32 $0xFFFFCC00  }
0x39: {  	[spmem:s2] =	stream.indirect.scatter.add.f32 [tilespmem:s19], [sflag:$0x4], $0x80, s0, s18, $0xb8;
	[tilespmem:$0x1FF80] =	vst v63  }
0x3a: {  	_ =	swait.ge [sflag:s22], $0x3400  }
0x3b: {  	[sflag:s22] =	ssyncset.done $0x0  }
0x3c: {  	s0 =	sadd.s32 $0xFFFFFF98, s31;
	[sflag:s22] =	ssyncadd.s32 $0xFFFFCC00  }
0x3d: {  	[tilespmem:s19], [sflag:$0x1] =	stream.indirect.gather [hbm4b:s4+s18], $0x80, s0, s18, $0xb8;
	[tilespmem:$0x1FF80] =	vst v63  }
0x3e: {  	_ =	swait.ge [sflag:s17], $0x3400  }
0x3f: {  	[sflag:s17] =	ssyncset.done $0x0  }
.Ltmp0:
0x40: {  	s0 =	sadd.s32 $0x2800, s1;
	[sflag:s17] =	ssyncadd.s32 $0xFFFFCC00;
	(pc) =	sbr.rel @p0 .LBB2_2-.Ltmp0, $4  }
0x41: {  	[spmem:s2] =	stream.indirect.scatter.add.f32 [tilespmem:s20], [sflag:$0x4], $0x80, s0, s18, $0xb8;
	[tilespmem:$0x1FF80] =	vst v63  }
0x42: {  	_ =	swait.ge [sflag:s22], $0x3400  }
0x43: {  	[sflag:s22] =	ssyncset.done $0x0  }
0x44: {  	s31 =	sadd.s32 $0xD0, s31;
	[sflag:s22] =	ssyncadd.s32 $0xFFFFCC00  }
0x45: {  	[tilespmem:s20], [sflag:$0x2] =	stream.indirect.gather [hbm4b:s4+s18], $0x80, s29, s18, $0xb8;
	[tilespmem:$0x1FF80] =	vst v63  }
0x46: {  	_ =	swait.ge [sflag:s16], $0x3400  }
0x47: {  	[sflag:s16] =	ssyncset.done $0x0  }
0x48: {  	[sflag:s16] =	ssyncadd.s32 $0xFFFFCC00  }
0x49: {  	[spmem:s2] =	stream.indirect.scatter.add.f32 [tilespmem:s19], [sflag:$0x4], $0x80, s23, s18, $0xb8;
	[tilespmem:$0x1FF80] =	vst v63  }
0x4a: {  	_ =	swait.ge [sflag:s22], $0x3400  }
0x4b: {  	[sflag:s22] =	ssyncset.done $0x0  }
0x4c: {  	[sflag:s22] =	ssyncadd.s32 $0xFFFFCC00  }
0x4d: {  	[tilespmem:s19], [sflag:$0x1] =	stream.indirect.gather [hbm4b:s4+s18], $0x80, s24, s18, $0xb8;
	[tilespmem:$0x1FF80] =	vst v63  }
0x4e: {  	_ =	swait.ge [sflag:s17], $0x3400  }
0x4f: {  	[sflag:s17] =	ssyncset.done $0x0  }
0x50: {  	[sflag:s17] =	ssyncadd.s32 $0xFFFFCC00  }
0x51: {  	[spmem:s2] =	stream.indirect.scatter.add.f32 [tilespmem:s20], [sflag:$0x4], $0x80, s25, s18, $0xb8;
	[tilespmem:$0x1FF80] =	vst v63  }
0x52: {  	_ =	swait.ge [sflag:s22], $0x3400  }
0x53: {  	[sflag:s22] =	ssyncset.done $0x0  }
0x54: {  	[sflag:s22] =	ssyncadd.s32 $0xFFFFCC00  }
0x55: {  	_ =	swait.ge [sflag:s16], $0x3400  }
0x56: {  	[sflag:s16] =	ssyncset.done $0x0  }
0x57: {  	[sflag:s16] =	ssyncadd.s32 $0xFFFFCC00  }
0x58: {  	[spmem:s2] =	stream.indirect.scatter.add.f32 [tilespmem:s19], [sflag:$0x4], $0x80, s26, s18, $0xb8;
	[tilespmem:$0x1FF80] =	vst v63  }
0x59: {  	_ =	swait.ge [sflag:s22], $0x3400  }
0x5a: {  	s28 =	sadd.s32 $0x1, s28;
	[sflag:s22] =	ssyncset.done $0x0  }
0x5b: {  	p0 =	sne.s32 s28, s11;
	[sflag:s22] =	ssyncadd.s32 $0xFFFFCC00  }
.Ltmp1:
0x5c: {  	s0 =	sor.u32 $0x1C04, s7;
	[bflag:$0x0] =	sbarrier.arrive $0xFFFF;
	(pc) =	sbr.rel @p0 .LBB2_1-.Ltmp1, $4  }
0x5d: {  	[hbm:s10], [sflag:s0] =	dma.local [spmem:s15], $0x2780  }
0x5e: {  	_ =	swait.ge [sflag:s22], $0x2780  }
0x5f: {  	[sflag:s22] =	ssyncset.done $0x0  }
0x60: {  	[sflag:s22] =	ssyncadd.s32 $0xFFFFD880  }
0x61: {  	_ =	sfence.sel $0x180000  }
0x62: {  	[bflag:$0x0] =	sbarrier.arrive $0xFFFF  }
0x63: {  	_ =	strace $0x9000004D  }
0x64: {  	s0 =	stileid.u32;
	[bflag:$0x2] =	sbarrier.arrive $0xFFFF  }
0x65: {  	p0 =	sne.s32 s0, $0x0;
	s0 =	rddreg [dreg:$0x2]  }
0x66: {  	s0 =	sadd.s32 @!p0 $0x100000, s0  }
0x67: {  	[sflag:s0] =	ssyncadd.tile.s32 @!p0 $0x1;
	_ =	shalt  }
.Lfunc_end2:
_tile_overlayer_lowered:
.L_overlay_start_2:
0x68: {  	(tag) =	ssettag $0x2  }
0x69: {  	s0 =	rddreg [dreg:$0x0];
	s2 =	stileid.u32  }
0x6a: {  	s1 =	rddreg [dreg:$0x1];
	p0 =	sne.s32 s2, $0x0  }
0x6b: {  	s3 =	rddreg [dreg:$0x2];
	[bflag:$0x3] =	sbarrier.arrive $0xFFFF;
	s2 =	simm.s32 @!p0 $0x1C04  }
0x6c: {  	[timem:s3], [sflag:s2] =	dma.local @!p0 [hbm:s0], s1  }
0x6d: {  	s0 =	simm.s32 @!p0 $0x4  }
0x6e: {  	_ =	swait.ge @!p0 [sflag:s0], s1  }
0x6f: {  	s1 =	ssub.s32 @!p0 $0x0, s1;
	[sflag:s0] =	ssyncset.done @!p0 $0x0  }
0x70: {  	[sflag:s0] =	ssyncadd.s32 @!p0 s1  }
0x71: {  	[bflag:$0x3] =	sbarrier.arrive $0xFFFF  }
0x72: {  	_ =	shalt  }

// kernel: kernel.8.cloned.1.call-start
scs
__scs_entry_jumppad:
0x0: {  	(pc) =	sbr.rel $0x88, $3  }
0x1: {  	(tag) =	ssettag $0x0;
	lr =	simm.s32 $0x1  }
0x2: {  	[smem:$0x3F96] =	sst lr;
	_ =	strace $0xD0000000  }
0x3: {  	_ = 	snop  }
0x4: {  	_ = 	snop  }
0x5: {  	_ = 	snop  }
0x6: {  	_ = 	snop  }
0x7: {  	_ = 	snop  }
__scs_overlays_trampoline_lowered:
0x8: {  	[smem:$0x3FA5] =	sst s0  }
0x9: {  	[smem:$0x3FA6] =	sst s1  }
0xa: {  	[smem:$0x3FA7] =	sst s2  }
0xb: {  	[smem:$0x3FA8] =	sst s3  }
0xc: {  	[smem:$0x3FA9] =	sst s4  }
0xd: {  	[smem:$0x3FAA] =	sst s5  }
0xe: {  	[smem:$0x3FAB] =	sst s6  }
0xf: {  	[smem:$0x3FAC] =	sst s7  }
0x10: {  	[smem:$0x3FAD] =	sst s8  }
0x11: {  	[smem:$0x3FAE] =	sst s9;
	s0 =	simm.s32 @!p0 $0x0  }
0x12: {  	s1 =	sld [smem:$0x3F94];
	s0 =	simm.s32 @p0 $0x1  }
0x13: {  	[smem:$0x3FAF] =	sst s0;
	s0 =	simm.s32 @!p1 $0x0  }
0x14: {  	s2 =	sld [smem:$0x3F93];
	s0 =	simm.s32 @p1 $0x1  }
0x15: {  	[smem:$0x3FB0] =	sst s0;
	s0 =	simm.s32 @!p2 $0x0  }
0x16: {  	s3 =	sld [smem:$0x3FDB];
	s0 =	simm.s32 @p2 $0x1  }
0x17: {  	s4 =	simm.s32 $0x1BF5;
	[smem:$0x3FB2] =	sst s0  }
0x18: {  	s0 =	sld [smem:$0x3F95];
	_ =	swait.ge [sflag:s4], $0x0  }
0x19: {  	s7 =	sld [smem:$0x3F96]  }
0x1a: {  	s8 =	sadd.s32 $0xFFFFE003, lr  }
0x1b: {  	s9 =	sadd.s32 $0xFFFFFEF7, lr;
	s5 =	simm.s32 $0xFFFFFFFF;
	p2 =	slt.u32 s8, $0xFFFFF086  }
0x1c: {  	p1 =	slt.u32 s9, $0xF7A;
	s5 =	simm.s32 @!p2 $0x0  }
0x1d: {  	s5 =	simm.s32 @p1 $0x1;
	p0 =	seq.s32 s7, s2  }
0x1e: {  	s7 =	smul.u32 @!p0 $0xF7A, s2;
	p2 =	seq.s32 @!p0 s5, $0x0  }
0x1f: {  	s9 =	smul.u32 $0xF7A, s1;
	s8 =	simm.s32 @!p0 $0x1BF5;
	p2 =	por !p2, p0  }
0x20: {  	[sflag:s8] =	ssyncset.s32 @!p0 $0xFFFFF086;
	s6 =	sadd.s32 @!p0 s3, s7;
	s7 =	simm.s32 @!p0 $0x108  }
0x21: {  	s3 =	sadd.s32 s3, s9;
	s6 =	sadd.s32 @!p0 $0x88, s6;
	s7 =	simm.s32 @p2 $0x1082  }
0x22: {  	[simem:s7], [sflag:s8] =	dma.local @!p0 [hbm:s6], $0xF7A  }
0x23: {  	s9 =	sor.u32 $0xD0000000, s2;
	s6 =	simm.s32 $0x108;
	_ =	swait.ge @!p0 [sflag:s8], $0x0  }
0x24: {  	s3 =	sadd.s32 $0x88, s3;
	s6 =	simm.s32 @!p1 $0x1082;
	[sflag:s4] =	ssyncset.s32 $0xFFFFF086  }
0x25: {  	[simem:s6], [sflag:s4] =	dma.local [hbm:s3], $0xF7A  }
0x26: {  	[smem:$0x3F96] =	sst s1;
	(tag) =	ssettag s2;
	_ =	strace s9  }
0x27: {  	s1 =	sld [smem:$0x3FA6]  }
0x28: {  	s2 =	sld [smem:$0x3FA7]  }
0x29: {  	s4 =	sld [smem:$0x3FA9]  }
0x2a: {  	p0 =	seq.s32 s5, $0x0;
	s5 =	sld [smem:$0x3FAA]  }
0x2b: {  	s6 =	sld [smem:$0x3FAB]  }
0x2c: {  	s7 =	sld [smem:$0x3FAC]  }
0x2d: {  	s3 =	simm.s32 $0x108;
	s8 =	sld [smem:$0x3FAD]  }
0x2e: {  	s3 =	simm.s32 @!p0 $0x1082;
	s9 =	sld [smem:$0x3FAE]  }
0x2f: {  	lr =	sadd.s32 s0, s3;
	s0 =	sld [smem:$0x3FA5]  }
0x30: {  	s3 =	sld [smem:$0x3FA8]  }
0x31: {  	[smem:$0x3FB1] =	sst s10  }
0x32: {  	s10 =	sld [smem:$0x3FAF];
	_ =	sdelay $0x3  }
0x33: {  	p0 =	seq.s32 s10, $0x1;
	s10 =	sld [smem:$0x3FB1];
	_ =	sdelay $0x3  }
0x34: {  	[smem:$0x3FB1] =	sst s10  }
0x35: {  	s10 =	sld [smem:$0x3FB0];
	_ =	sdelay $0x3  }
0x36: {  	p1 =	seq.s32 s10, $0x1;
	s10 =	sld [smem:$0x3FB1];
	_ =	sdelay $0x3  }
0x37: {  	[smem:$0x3FB1] =	sst s10  }
0x38: {  	s10 =	sld [smem:$0x3FB2]  }
0x39: {  	_ = 	snop;
	(pc) =	sbr.ind lr, $3  }
0x3a: {  	_ = 	snop  }
0x3b: {  	_ = 	snop  }
0x3c: {  	p2 =	seq.s32 s10, $0x1;
	s10 =	sld [smem:$0x3FB1]  }
0x3d: {  	_ =	shalt  }
0x3e: {  	_ =	shalt  }
0x3f: {  	_ =	shalt  }
0x40: {  	_ =	shalt  }
0x41: {  	_ =	shalt  }
0x42: {  	_ =	shalt  }
0x43: {  	_ =	shalt  }
0x44: {  	_ =	shalt  }
0x45: {  	_ =	shalt  }
0x46: {  	_ =	shalt  }
0x47: {  	_ =	shalt  }
0x48: {  	_ =	shalt  }
0x49: {  	_ =	shalt  }
0x4a: {  	_ =	shalt  }
0x4b: {  	_ =	shalt  }
0x4c: {  	_ =	shalt  }
0x4d: {  	_ =	shalt  }
0x4e: {  	_ =	shalt  }
0x4f: {  	_ =	shalt  }
0x50: {  	_ =	shalt  }
0x51: {  	_ =	shalt  }
0x52: {  	_ =	shalt  }
0x53: {  	_ =	shalt  }
0x54: {  	_ =	shalt  }
0x55: {  	_ =	shalt  }
0x56: {  	_ =	shalt  }
0x57: {  	_ =	shalt  }
0x58: {  	_ =	shalt  }
0x59: {  	_ =	shalt  }
0x5a: {  	_ =	shalt  }
0x5b: {  	_ =	shalt  }
0x5c: {  	_ =	shalt  }
0x5d: {  	_ =	shalt  }
0x5e: {  	_ =	shalt  }
0x5f: {  	_ =	shalt  }
0x60: {  	_ =	shalt  }
0x61: {  	_ =	shalt  }
0x62: {  	_ =	shalt  }
0x63: {  	_ =	shalt  }
0x64: {  	_ =	shalt  }
0x65: {  	_ =	shalt  }
0x66: {  	_ =	shalt  }
0x67: {  	_ =	shalt  }
0x68: {  	_ =	shalt  }
0x69: {  	_ =	shalt  }
0x6a: {  	_ =	shalt  }
0x6b: {  	_ =	shalt  }
0x6c: {  	_ =	shalt  }
0x6d: {  	_ =	shalt  }
0x6e: {  	_ =	shalt  }
0x6f: {  	_ =	shalt  }
0x70: {  	_ =	shalt  }
0x71: {  	_ =	shalt  }
0x72: {  	_ =	shalt  }
0x73: {  	_ =	shalt  }
0x74: {  	_ =	shalt  }
0x75: {  	_ =	shalt  }
0x76: {  	_ =	shalt  }
0x77: {  	_ =	shalt  }
0x78: {  	_ =	shalt  }
0x79: {  	_ =	shalt  }
0x7a: {  	_ =	shalt  }
0x7b: {  	_ =	shalt  }
0x7c: {  	_ =	shalt  }
0x7d: {  	_ =	shalt  }
0x7e: {  	_ =	shalt  }
0x7f: {  	_ =	shalt  }
0x80: {  	_ =	shalt  }
0x81: {  	_ =	shalt  }
0x82: {  	_ =	shalt  }
0x83: {  	_ =	shalt  }
0x84: {  	_ =	shalt  }
0x85: {  	_ =	shalt  }
0x86: {  	_ =	shalt  }
0x87: {  	_ =	shalt  }
.Lfunc_end0:
.L_simem_size_0:
called_computation_lowered:
.L_overlay_start_0:
0x88: {  	s2 =	sld [smem:$0x3FD9]  }
0x89: {  	s3 =	sld [smem:$0x3FFE];
	_ =	sdelay $0x1  }
0x8a: {  	s1 =	srdreg.scid  }
0x8b: {  	s0 =	sand.u32 $0x1, s1  }
0x8c: {  	s17 =	sshll.u32 s0, $0xA;
	s2 =	sadd.s32 s3, s2  }
0x8d: {  	s2 =	sadd.s32 s2, s17  }
0x8e: {  	[smem:$0x3FBD] =	sst s2  }
0x8f: {  	_ = 	snop  }
0x90: {  	s2 =	sld [smem:$0x3FC9];
	(tm) =	ssettm $0x1  }
0x91: {  	s18 =	sld [smem:$0x3FFB];
	_ =	sdelay $0x3  }
0x92: {  	_ =	strace s18  }
0x93: {  	s3 =	sld [smem:$0x3FFC];
	_ =	sdelay $0x3  }
0x94: {  	_ =	strace s3  }
0x95: {  	s3 =	sld [smem:$0x3FFD];
	_ =	sdelay $0x3  }
0x96: {  	_ =	strace s3  }
0x97: {  	_ =	strace $0x8FFFFFFF  }
0x98: {  	s19 =	sld [smem:$0x3FDB];
	_ =	sdelay $0x1  }
0x99: {  	s4 =	simm.s32 $_scs_section_size  }
0x9a: {  	s5 =	simm.s32 $_size__tile_overlayer_lowered;
	s6 =	simm.s32 $_tile_overlayer_lowered  }
0x9b: {  	s22 =	simm.s32 $0x1BFF;
	s21 =	sshll.u32 s6, $0x1;
	s3 =	sadd.s32 s4, s19  }
0x9c: {  	s7 =	simm.s32 $0x0;
	s20 =	sshll.u32 s5, $0x1;
	s5 =	sadd.s32 s21, s3  }
0x9d: {  	[timem:s7], [sflag:s22] =	dma.local [hbm:s5], s20  }
0x9e: {  	_ =	swait.ge [sflag:s22], s20  }
0x9f: {  	s4 =	ssub.s32 $0x0, s20;
	[sflag:s22] =	ssyncset.done $0x0  }
0xa0: {  	[sflag:s22] =	ssyncadd.s32 s4;
	_ =	sdelay $0x1  }
0xa1: {  	s23 =	simm.s32 $0x1B8B  }
0xa2: {  	_ =	swait.ge [sflag:s23], $0x1  }
0xa3: {  	[sflag:s23] =	ssyncset.done $0x0  }
0xa4: {  	s25 =	simm.s32 $0x1B8E;
	s24 =	sld [smem:$0x3FFE];
	[sflag:s23] =	ssyncadd.s32 $0xFFFFFFFF  }
0xa5: {  	s26 =	simm.s32 $execute0_lowered;
	[smem:$0x3FD2] =	sst s25  }
0xa6: {  	s5 =	sshll.u32 s26, $0x1;
	_ =	strace $0x80000046;
	[dreg:$0x1] =	wrdreg $0xFFFFFFFF  }
0xa7: {  	s28 =	simm.s32 $_size_execute0_lowered;
	s3 =	sadd.s32 s3, s5;
	[dreg:$0x0] =	wrdreg $0x0  }
0xa8: {  	s5 =	sshll.u32 s28, $0x1;
	[dreg:$0x2] =	wrdreg s3  }
0xa9: {  	[dreg:$0x3] =	wrdreg s5  }
0xaa: {  	[dreg:$0x4] =	wrdreg $0xC0  }
0xab: {  	_ =	task [dreg:s7], $0x5FFFF  }
0xac: {  	[dreg:$0x1] =	wrdreg $0xFFFFFFFF  }
0xad: {  	[dreg:$0x0] =	wrdreg $0x60  }
0xae: {  	[dreg:$0x2] =	wrdreg s2  }
0xaf: {  	[dreg:$0x3] =	wrdreg s24  }
0xb0: {  	[dreg:$0x4] =	wrdreg $0xC3800  }
0xb1: {  	[dreg:$0x5] =	wrdreg $0x9  }
0xb2: {  	_ =	task.clear_ibuf [dreg:s7], $0x6FFFF;
	_ =	strace $0x90000046  }
0xb3: {  	s29 =	simm.s32 $0x9;
	_ =	strace $0x80000048  }
0xb4: {  	_ =	swait.ge [sflag:s29], $0x1  }
0xb5: {  	[sflag:s29] =	ssyncadd.s32 $0xFFFFFFFF  }
0xb6: {  	_ =	strace $0x90000048  }
0xb7: {  	_ =	sfence  }
0xb8: {  	s30 =	sld [smem:$0x0];
	_ =	sdelay $0x2  }
0xb9: {  	s31 =	sshll.u32 s1, $0xD;
	s1 =	sshrl.u32 s1, $0x2  }
0xba: {  	s3 =	sand.u32 $0x4000, s31;
	s1 =	sadd.s32 s1, s30  }
0xbb: {  	s0 =	sor.u32 s3, s0;
	s1 =	sshll.u32 s1, $0x11  }
0xbc: {  	s0 =	sor.u32 s1, s0  }
0xbd: {  	s0 =	sadd.s32 $0x8F2B, s0  }
0xbe: {  	[sflag:s0] =	ssyncadd.remote.s32 $0x1  }
0xbf: {  	_ =	sfence.sel $0xFFFF  }
0xc0: {  	[dreg:$0x0] =	wrdreg $0xFFFFFFFF;
	(pc) =	sbr.abs _section_cstart, $3  }
0xc1: {  	[dreg:$0x1] =	wrdreg $0xFFFFFFFF  }
0xc2: {  	_ =	task.clear_ibuf [dreg:s7], $0x2FFFF;
	_ =	strace $0x9FFFFFFF  }
0xc3: {  	(tm) =	ssettm $0x7FFFFFFF  }
tec
execute0_lowered:
.L_overlay_start_1:
0x0: {  	(tag) =	ssettag $0x1  }
0x1: {  	s1 =	rddreg [dreg:$0x0]  }
0x2: {  	s2 =	srdreg.scid;
	s6 =	rddreg [dreg:$0x1]  }
0x3: {  	s0 =	stileid.u32;
	s3 =	rddreg [dreg:$0x2];
	s14 =	simm.s32 $0x2780  }
0x4: {  	s16 =	simm.s32 $0x1;
	s17 =	simm.s32 $0x2;
	s18 =	simm.s32 $0x68  }
0x5: {  	s19 =	simm.s32 $0x5B80;
	s20 =	simm.s32 $0x8F80;
	s21 =	simm.s32 $0x3  }
0x6: {  	s22 =	simm.s32 $0x4;
	s23 =	simm.s32 $0x5680;
	s10 =	smul.u32 $0x13C00, s0  }
0x7: {  	s24 =	simm.s32 $0x2700;
	s26 =	sshrl.u32 s0, $0x2;
	s12 =	smul.u32 $0x4F000, s0  }
0x8: {  	s5 =	sand.u32 $0x1, s2;
	s25 =	sshll.u32 s0, $0x1;
	s7 =	smul.u32 $0x13C00, s26  }
0x9: {  	s28 =	simm.s32 $0x0;
	s4 =	sor.u32 s5, s25;
	s29 =	smul.u32 $0x13C000, s5  }
0xa: {  	s30 =	ssub.s32 $0x2, s5;
	s5 =	sadd.s32 $0x18E00, s6;
	s25 =	simm.s32 $0x5700  }
0xb: {  	s26 =	simm.s32 $0x5780;
	s8 =	sshll.u32 s4, $0x7;
	s9 =	smul.u32 $0x680, s4  }
0xc: {  	s4 =	simm.s32 $0x0;
	s11 =	sshrl.u32 s30, $0x1;
	s31 =	sshrl.u32 s12, $0x2  }
0xd: {  	s12 =	simm.s32 $0x80;
	s8 =	sand.u32 $0x380, s8;
	[smem:$0x7FF] =	sst s4  }
0xe: {  	s11 =	ssub.s32 s30, s11;
	s15 =	sadd.s32 s31, s3;
	s7 =	sor.u32 s7, s8  }
0xf: {  	_ =	strace $0x80000047;
	s9 =	sadd.s32 s9, s6;
	s8 =	sadd.s32 s10, s29  }
0x10: {  	s11 =	smax.u32 s11, $0x1;
	s7 =	sshrl.u32 s7, $0x3;
	s8 =	sshrl.u32 s8, $0x3  }
0x11: {  	s15 =	sshrl.u32 s15, $0x3;
	s7 =	sadd.s32 s7, s6;
	s13 =	sadd.s32 s8, s6  }
0x12: {  	s8 =	sadd.s32 $0x2000, s9;
	s6 =	sadd.s32 $0xF000, s7;
	s7 =	sshll.u32 s0, $0x6  }
0x13: {  	s10 =	sadd.s32 $0x1B600, s13;
	s13 =	simm.s32 $0x400;
	s9 =	sor.u32 $0x1C03, s7  }
.LBB2_1:
0x14: {  	[tilespmem:s4], [sflag:$0x1] =	stream.strided.gather [hbm4b:s6+s12], $0x2780, s13, s12, $0x38;
	[tilespmem:$0x1FF80] =	vst v63  }
0x15: {  	_ = 	snop  }
0x16: {  	[tilespmem:s14], [sflag:$0x2] =	stream.linear.gather [hbm4b:s8+s4], $0x3080, $0x38;
	[tilespmem:$0x1FF80] =	vst v63  }
0x17: {  	[spmem:s15], [sflag:s9] =	dma.local [hbm:s5], $0x2780  }
0x18: {  	_ =	swait.ge [sflag:s16], $0x2780  }
0x19: {  	[sflag:s16] =	ssyncset.done $0x0  }
0x1a: {  	[sflag:s16] =	ssyncadd.s32 $0xFFFFD880  }
0x1b: {  	_ =	swait.ge [sflag:s17], $0x3080  }
0x1c: {  	[sflag:s17] =	ssyncset.done $0x0  }
0x1d: {  	[sflag:s17] =	ssyncadd.s32 $0xFFFFCF80  }
0x1e: {  	[tilespmem:s19], [sflag:$0x1] =	stream.indirect.gather [hbm4b:s1+s18], $0x80, s4, s18, $0xb8;
	[tilespmem:$0x1FF80] =	vst v63  }
0x1f: {  	_ = 	snop  }
0x20: {  	[tilespmem:s20], [sflag:$0x2] =	stream.indirect.gather [hbm4b:s1+s18], $0x80, s18, s18, $0xb8;
	[tilespmem:$0x1FF80] =	vst v63  }
0x21: {  	_ =	swait.ge [sflag:s21], $0x2780  }
0x22: {  	[sflag:s21] =	ssyncset.done $0x0  }
0x23: {  	[sflag:s21] =	ssyncadd.s32 $0xFFFFD880  }
0x24: {  	[bflag:$0x0] =	sbarrier.arrive $0xFFFF  }
0x25: {  	_ =	swait.ge [sflag:s16], $0x3400  }
0x26: {  	[sflag:s16] =	ssyncset.done $0x0  }
0x27: {  	s29 =	simm.s32 $0x2780;
	[sflag:s16] =	ssyncadd.s32 $0xFFFFCC00  }
0x28: {  	[spmem:s3] =	stream.indirect.scatter.add.f32 [tilespmem:s19], [sflag:$0x4], $0x80, s29, s18, $0xb8;
	[tilespmem:$0x1FF80] =	vst v63  }
0x29: {  	_ =	swait.ge [sflag:s22], $0x3400  }
0x2a: {  	[sflag:s22] =	ssyncset.done $0x0  }
0x2b: {  	s29 =	simm.s32 $0xD0;
	[sflag:s22] =	ssyncadd.s32 $0xFFFFCC00  }
0x2c: {  	[tilespmem:s19], [sflag:$0x1] =	stream.indirect.gather [hbm4b:s1+s18], $0x80, s29, s18, $0xb8;
	[tilespmem:$0x1FF80] =	vst v63  }
0x2d: {  	_ =	swait.ge [sflag:s17], $0x3400  }
0x2e: {  	[sflag:s17] =	ssyncset.done $0x0  }
0x2f: {  	s29 =	simm.s32 $0x2800;
	[sflag:s17] =	ssyncadd.s32 $0xFFFFCC00  }
0x30: {  	[spmem:s3] =	stream.indirect.scatter.add.f32 [tilespmem:s20], [sflag:$0x4], $0x80, s29, s18, $0xb8;
	[tilespmem:$0x1FF80] =	vst v63  }
0x31: {  	_ =	swait.ge [sflag:s22], $0x3400  }
0x32: {  	s30 =	simm.s32 $0x400;
	[sflag:s22] =	ssyncset.done $0x0  }
0x33: {  	s31 =	simm.s32 $0x208;
	s29 =	simm.s32 $0x138;
	[sflag:s22] =	ssyncadd.s32 $0xFFFFCC00  }
.LBB2_2:
0x34: {  	[tilespmem:s20], [sflag:$0x2] =	stream.indirect.gather [hbm4b:s1+s18], $0x80, s29, s18, $0xb8;
	[tilespmem:$0x1FF80] =	vst v63  }
0x35: {  	s2 =	smov.u32 s30;
	s29 =	smov.u32 s31  }
0x36: {  	p0 =	sne.s32 s30, $0xB800;
	s30 =	sadd.s32 $0x400, s30;
	_ =	swait.ge [sflag:s16], $0x3400  }
0x37: {  	s2 =	sshra.s32 s2, $0x2;
	[sflag:s16] =	ssyncset.done $0x0  }
0x38: {  	s0 =	sadd.s32 $0x2780, s2;
	[sflag:s16] =	ssyncadd.s32 $0xFFFFCC00  }
0x39: {  	[spmem:s3] =	stream.indirect.scatter.add.f32 [tilespmem:s19], [sflag:$0x4], $0x80, s0, s18, $0xb8;
	[tilespmem:$0x1FF80] =	vst v63  }
0x3a: {  	_ =	swait.ge [sflag:s22], $0x3400  }
0x3b: {  	[sflag:s22] =	ssyncset.done $0x0  }
0x3c: {  	s0 =	sadd.s32 $0xFFFFFF98, s31;
	[sflag:s22] =	ssyncadd.s32 $0xFFFFCC00  }
0x3d: {  	[tilespmem:s19], [sflag:$0x1] =	stream.indirect.gather [hbm4b:s1+s18], $0x80, s0, s18, $0xb8;
	[tilespmem:$0x1FF80] =	vst v63  }
0x3e: {  	_ =	swait.ge [sflag:s17], $0x3400  }
0x3f: {  	[sflag:s17] =	ssyncset.done $0x0  }
.Ltmp0:
0x40: {  	s0 =	sadd.s32 $0x2800, s2;
	[sflag:s17] =	ssyncadd.s32 $0xFFFFCC00;
	(pc) =	sbr.rel @p0 .LBB2_2-.Ltmp0, $4  }
0x41: {  	[spmem:s3] =	stream.indirect.scatter.add.f32 [tilespmem:s20], [sflag:$0x4], $0x80, s0, s18, $0xb8;
	[tilespmem:$0x1FF80] =	vst v63  }
0x42: {  	_ =	swait.ge [sflag:s22], $0x3400  }
0x43: {  	[sflag:s22] =	ssyncset.done $0x0  }
0x44: {  	s31 =	sadd.s32 $0xD0, s31;
	[sflag:s22] =	ssyncadd.s32 $0xFFFFCC00  }
0x45: {  	[tilespmem:s20], [sflag:$0x2] =	stream.indirect.gather [hbm4b:s1+s18], $0x80, s29, s18, $0xb8;
	[tilespmem:$0x1FF80] =	vst v63  }
0x46: {  	_ =	swait.ge [sflag:s16], $0x3400  }
0x47: {  	[sflag:s16] =	ssyncset.done $0x0  }
0x48: {  	[sflag:s16] =	ssyncadd.s32 $0xFFFFCC00  }
0x49: {  	[spmem:s3] =	stream.indirect.scatter.add.f32 [tilespmem:s19], [sflag:$0x4], $0x80, s23, s18, $0xb8;
	[tilespmem:$0x1FF80] =	vst v63  }
0x4a: {  	_ =	swait.ge [sflag:s22], $0x3400  }
0x4b: {  	[sflag:s22] =	ssyncset.done $0x0  }
0x4c: {  	[sflag:s22] =	ssyncadd.s32 $0xFFFFCC00  }
0x4d: {  	[tilespmem:s19], [sflag:$0x1] =	stream.indirect.gather [hbm4b:s1+s18], $0x80, s24, s18, $0xb8;
	[tilespmem:$0x1FF80] =	vst v63  }
0x4e: {  	_ =	swait.ge [sflag:s17], $0x3400  }
0x4f: {  	[sflag:s17] =	ssyncset.done $0x0  }
0x50: {  	[sflag:s17] =	ssyncadd.s32 $0xFFFFCC00  }
0x51: {  	[spmem:s3] =	stream.indirect.scatter.add.f32 [tilespmem:s20], [sflag:$0x4], $0x80, s25, s18, $0xb8;
	[tilespmem:$0x1FF80] =	vst v63  }
0x52: {  	_ =	swait.ge [sflag:s22], $0x3400  }
0x53: {  	[sflag:s22] =	ssyncset.done $0x0  }
0x54: {  	[sflag:s22] =	ssyncadd.s32 $0xFFFFCC00  }
0x55: {  	_ =	swait.ge [sflag:s16], $0x3400  }
0x56: {  	[sflag:s16] =	ssyncset.done $0x0  }
0x57: {  	[sflag:s16] =	ssyncadd.s32 $0xFFFFCC00  }
0x58: {  	[spmem:s3] =	stream.indirect.scatter.add.f32 [tilespmem:s19], [sflag:$0x4], $0x80, s26, s18, $0xb8;
	[tilespmem:$0x1FF80] =	vst v63  }
0x59: {  	_ =	swait.ge [sflag:s22], $0x3400  }
0x5a: {  	s28 =	sadd.s32 $0x1, s28;
	[sflag:s22] =	ssyncset.done $0x0  }
0x5b: {  	p0 =	sne.s32 s28, s11;
	[sflag:s22] =	ssyncadd.s32 $0xFFFFCC00  }
.Ltmp1:
0x5c: {  	s0 =	sor.u32 $0x1C04, s7;
	[bflag:$0x0] =	sbarrier.arrive $0xFFFF;
	(pc) =	sbr.rel @p0 .LBB2_1-.Ltmp1, $4  }
0x5d: {  	[hbm:s10], [sflag:s0] =	dma.local [spmem:s15], $0x2780  }
0x5e: {  	_ =	swait.ge [sflag:s22], $0x2780  }
0x5f: {  	[sflag:s22] =	ssyncset.done $0x0  }
0x60: {  	[sflag:s22] =	ssyncadd.s32 $0xFFFFD880  }
0x61: {  	_ =	sfence.sel $0x180000  }
0x62: {  	[bflag:$0x0] =	sbarrier.arrive $0xFFFF  }
0x63: {  	_ =	strace $0x90000047  }
0x64: {  	s0 =	stileid.u32;
	[bflag:$0x2] =	sbarrier.arrive $0xFFFF  }
0x65: {  	p0 =	sne.s32 s0, $0x0;
	s0 =	rddreg [dreg:$0x3]  }
0x66: {  	s0 =	sadd.s32 @!p0 $0x100000, s0  }
0x67: {  	[sflag:s0] =	ssyncadd.tile.s32 @!p0 $0x1;
	_ =	shalt  }
.Lfunc_end2:
_tile_overlayer_lowered:
.L_overlay_start_2:
0x68: {  	(tag) =	ssettag $0x2  }
0x69: {  	s0 =	rddreg [dreg:$0x0];
	s2 =	stileid.u32  }
0x6a: {  	s1 =	rddreg [dreg:$0x1];
	p0 =	sne.s32 s2, $0x0  }
0x6b: {  	s3 =	rddreg [dreg:$0x2];
	[bflag:$0x3] =	sbarrier.arrive $0xFFFF;
	s2 =	simm.s32 @!p0 $0x1C04  }
0x6c: {  	[timem:s3], [sflag:s2] =	dma.local @!p0 [hbm:s0], s1  }
0x6d: {  	s0 =	simm.s32 @!p0 $0x4  }
0x6e: {  	_ =	swait.ge @!p0 [sflag:s0], s1  }
0x6f: {  	s1 =	ssub.s32 @!p0 $0x0, s1;
	[sflag:s0] =	ssyncset.done @!p0 $0x0  }
0x70: {  	[sflag:s0] =	ssyncadd.s32 @!p0 s1  }
0x71: {  	[bflag:$0x3] =	sbarrier.arrive $0xFFFF  }
0x72: {  	_ =	shalt  }

</sc_bundles>
